<compile_context>
chip_gen: v7x
topology: tpu7x:2x2x1
jax: 0.10.2.dev20260603
libtpu: 0.0.44.dev20260713+nightly
codegen_flags: <defaults>
</compile_context>

<pallas_src>
import functools

import jax
import jax.numpy as jnp
from jax import lax
from jax.experimental import pallas as pl
from jax.experimental.pallas import tpu as pltpu
from jax.experimental.pallas import tpu_sc as plsc

B, S, H = 32, 8, 1024
V = 100000
ROWS = B * S
NC, NS = 2, 16
NW = NC * NS
RPW = ROWS // NW
ROW_BLK = 8
MAGIC = 12582912.0

_mesh = plsc.VectorSubcoreMesh(core_axis_name="c", subcore_axis_name="s")


def _zero_body(out_ref):
    out_ref[...] = jnp.zeros((ROW_BLK, V), jnp.float32)


_tc_zeros = pl.pallas_call(
    _zero_body,
    out_shape=jax.ShapeDtypeStruct((ROWS, V), jnp.float32),
    grid=(ROWS // ROW_BLK,),
    out_specs=pl.BlockSpec((ROW_BLK, V), lambda i: (i, 0)),
)


@functools.partial(
    pl.kernel,
    mesh=_mesh,
    out_type=(),
    scratch_types=[
        pltpu.VMEM((RPW, 128), jnp.float32),
        pltpu.VMEM((RPW, RPW, 128), jnp.float32),
        pltpu.SMEM((RPW,), jnp.int32),
        pltpu.SMEM((RPW,), jnp.int32),
        pltpu.SemaphoreType.DMA,
    ],
)
def _sc_scatter(hs_hbm, out_hbm, hsv, wbuf, st, sc, wsem):
    wid = lax.axis_index("s") * NC + lax.axis_index("c")
    base = wid * RPW

    pltpu.sync_copy(hs_hbm.at[pl.ds(base, RPW), pl.ds(0, 128)], hsv)
    lane = lax.iota(jnp.int32, 16)
    for r in range(RPW):
        x = hsv[r, pl.ds(0, 16)][0]
        rr = (x + MAGIC) - MAGIC
        rr = jnp.minimum(jnp.maximum(rr, 0.0), float(V - 1))
        tok = rr.astype(jnp.int32)
        st[r] = tok
        sc[r] = tok - jnp.bitwise_and(tok, 127)

    def fill(t, c):
        k = t // RPW
        i = t - k * RPW
        colb_k = sc[k]
        tok_i = st[i]
        for j in range(8):
            col = colb_k + (lane + j * 16)
            wbuf[k, i, pl.ds(j * 16, 16)] = jnp.where(
                col == tok_i, jnp.float32(5.0), jnp.float32(0.0)
            )
        return c

    lax.fori_loop(0, RPW * RPW, fill, 0)

    copies = []
    for k in range(RPW):
        colb = pl.multiple_of(sc[k], 128)
        dst = out_hbm.at[pl.ds(base, RPW), pl.ds(colb, 128)]
        copies.append(pltpu.async_copy(wbuf.at[k], dst, wsem))
    for c in copies:
        c.wait()


def kernel(hidden_states):
    hs = hidden_states.reshape(ROWS, H)
    logits = _tc_zeros()
    buf = jax.new_ref(logits)
    _sc_scatter(hs, buf)
    return buf[...].reshape(B, S, V)

# --- scband reference (transcript-rebuilt; emitter-appended) ---
"""Pipeline reference for scband-fake-lm-head-82841329205362 (READ-ONLY COPY).

The authoritative reference and input builder live on the scoring server;
editing this copy changes nothing except your own understanding.
"""

import jax, jax.numpy as jnp
import numpy as np

VOCAB_SIZE = 100000


def setup_inputs(seed: int = 0) -> dict:
    key = jax.random.key(seed)
    hidden_states = jax.random.uniform(key, (32, 8, 1024), dtype=jnp.float32)
    return {"hidden_states": hidden_states}


def reference(hidden_states):
    B, S, _ = hidden_states.shape
    # token_ids = hidden_states[..., 0].round().long().clamp(0, vocab-1)
    token_ids = jnp.clip(jnp.round(hidden_states[..., 0]).astype(jnp.int32), 0, VOCAB_SIZE - 1)
    logits = jnp.zeros((B, S, VOCAB_SIZE), dtype=hidden_states.dtype)
    bi, si = jnp.meshgrid(jnp.arange(B), jnp.arange(S), indexing='ij')
    # scatter-overwrite along the last (vocab) dim
    logits = logits.at[bi, si, token_ids].set(jnp.asarray(5.0, dtype=hidden_states.dtype))
    return logits

if __name__ == "__main__":
    import jax
    _d = setup_inputs()
    print(jax.jit(kernel)(*tuple(_d.values())))

</pallas_src>

<mosaic_0001>
#map = affine_map<(d0, d1) -> (0, 0)>
module attributes {stable_mosaic.version = 14 : i64} {
  func.func @new_body(%arg0: i32, %arg1: i32, %arg2: memref<256x1024xf32, #tpu.memory_space<hbm>>, %arg3: memref<256x100000xf32, #tpu.memory_space<hbm>>, %arg4: memref<256x100000xf32, #tpu.memory_space<hbm>>, %arg5: memref<8x128xf32, #tpu.memory_space<vmem>>, %arg6: memref<8x8x128xf32, #tpu.memory_space<vmem>>, %arg7: memref<8xi32, #tpu.memory_space<smem>>, %arg8: memref<8xi32, #tpu.memory_space<smem>>, %arg9: memref<!tpu.dma_semaphore, #tpu.memory_space<semaphore_mem>>) attributes {dimension_semantics = [#tpu.dimension_semantics<core_parallel>, #tpu.dimension_semantics<subcore_parallel>], iteration_bounds = array<i64: 2, 16>, scalar_prefetch = 0 : i64, scratch_operands = 5 : i64, tpu.core_type = #tpu.core_type<sc_vector_subcore>, window_params = [{transform_indices = #map}, {transform_indices = #map}, {transform_indices = #map}]} {
    %mul3A = arith.constant 2 : i32
    %mul3A_0 = arith.muli %arg1, %mul3A : i32
    %add3A = arith.addi %mul3A_0, %arg0 : i32
    %mul3A_1 = arith.constant 8 : i32
    %mul3A_2 = arith.muli %add3A, %mul3A_1 : i32
    "tpu.region"() ({
      %run_scoped3A = tpu.sem_alloc : memref<!tpu.dma_semaphore, #tpu.memory_space<semaphore_mem>>
      %dma_start3A_404 = arith.constant 0 : i32
      %dma_start3A_405 = tpu.memref_slice %arg2[%mul3A_2, %dma_start3A_404] : memref<256x1024xf32, #tpu.memory_space<hbm>> -> memref<8x128xf32, #tpu.memory_space<hbm>>
      %dma_start3A_406 = arith.constant 0 : i32
      %dma_start3A_407 = tpu.memref_slice %arg2[%mul3A_2, %dma_start3A_406] : memref<256x1024xf32, #tpu.memory_space<hbm>> -> memref<8x128xf32, #tpu.memory_space<hbm>>
      tpu.enqueue_dma source(%dma_start3A_407 : memref<8x128xf32, #tpu.memory_space<hbm>>) target(%arg5 : memref<8x128xf32, #tpu.memory_space<vmem>>) target_semaphore(%run_scoped3A : memref<!tpu.dma_semaphore, #tpu.memory_space<semaphore_mem>>)
      %dma_wait3A_408 = arith.constant 0 : i32
      %dma_wait3A_409 = tpu.memref_slice %arg2[%mul3A_2, %dma_wait3A_408] : memref<256x1024xf32, #tpu.memory_space<hbm>> -> memref<8x128xf32, #tpu.memory_space<hbm>>
      %dma_wait3A_410 = arith.constant 0 : i32
      %dma_wait3A_411 = tpu.memref_slice %arg2[%mul3A_2, %dma_wait3A_410] : memref<256x1024xf32, #tpu.memory_space<hbm>> -> memref<8x128xf32, #tpu.memory_space<hbm>>
      tpu.wait_dma2 semaphore(%run_scoped3A : memref<!tpu.dma_semaphore, #tpu.memory_space<semaphore_mem>>) src(%dma_wait3A_411 : memref<8x128xf32, #tpu.memory_space<hbm>>) dst(%arg5 : memref<8x128xf32, #tpu.memory_space<vmem>>)
      tpu.yield
    }) : () -> ()
    %iota3A = tpu.iota {dimensions = array<i32: 0>} : vector<16xi32>
    %get3A = arith.constant 0 : i32
    %get3A_3 = arith.index_cast %get3A : i32 to index
    %get3A_4 = arith.constant 0 : index
    %get3A_5 = tpu.vector_load %arg5[%get3A_3, %get3A_4] {strides = array<i32>} : memref<8x128xf32, #tpu.memory_space<vmem>>, vector<1x16xf32>,
    %get3A_6 = vector.shape_cast %get3A_5 : vector<1x16xf32> to vector<16xf32>
    %slice3A = vector.extract_strided_slice %get3A_6 {offsets = [0], sizes = [1], strides = [1]} : vector<16xf32> to vector<1xf32>
    %squeeze3A = vector.extract %slice3A[0] : f32 from vector<1xf32>
    %add3A_7 = arith.constant 0x4B400000 : f32
    %add3A_8 = arith.addf %squeeze3A, %add3A_7 : f32
    %sub3A = arith.constant 0x4B400000 : f32
    %sub3A_9 = arith.subf %add3A_8, %sub3A : f32
    %max3A = arith.constant 0.000000e+00 : f32
    %max3A_10 = arith.maximumf %sub3A_9, %max3A : f32
    %min3A = arith.constant 9.999900e+04 : f32
    %min3A_11 = arith.minimumf %max3A_10, %min3A : f32
    %convert_element_type3A = arith.fptosi %min3A_11 : f32 to i32
    %swap3A = arith.constant 0 : i32
    %swap3A_12 = arith.index_cast %swap3A : i32 to index
    %swap3A_13 = memref.load %arg7[%swap3A_12] : memref<8xi32, #tpu.memory_space<smem>>
    memref.store %convert_element_type3A, %arg7[%swap3A_12] : memref<8xi32, #tpu.memory_space<smem>>
    %and3A = arith.constant 127 : i32
    %and3A_14 = arith.andi %convert_element_type3A, %and3A : i32
    %sub3A_15 = arith.subi %convert_element_type3A, %and3A_14 : i32
    %swap3A_16 = arith.constant 0 : i32
    %swap3A_17 = arith.index_cast %swap3A_16 : i32 to index
    %swap3A_18 = memref.load %arg8[%swap3A_17] : memref<8xi32, #tpu.memory_space<smem>>
    memref.store %sub3A_15, %arg8[%swap3A_17] : memref<8xi32, #tpu.memory_space<smem>>
    %get3A_19 = arith.constant 1 : i32
    %get3A_20 = arith.index_cast %get3A_19 : i32 to index
    %get3A_21 = arith.constant 0 : index
    %get3A_22 = tpu.vector_load %arg5[%get3A_20, %get3A_21] {strides = array<i32>} : memref<8x128xf32, #tpu.memory_space<vmem>>, vector<1x16xf32>,
    %get3A_23 = vector.shape_cast %get3A_22 : vector<1x16xf32> to vector<16xf32>
    %slice3A_24 = vector.extract_strided_slice %get3A_23 {offsets = [0], sizes = [1], strides = [1]} : vector<16xf32> to vector<1xf32>
    %squeeze3A_25 = vector.extract %slice3A_24[0] : f32 from vector<1xf32>
    %add3A_26 = arith.constant 0x4B400000 : f32
    %add3A_27 = arith.addf %squeeze3A_25, %add3A_26 : f32
    %sub3A_28 = arith.constant 0x4B400000 : f32
    %sub3A_29 = arith.subf %add3A_27, %sub3A_28 : f32
    %max3A_30 = arith.constant 0.000000e+00 : f32
    %max3A_31 = arith.maximumf %sub3A_29, %max3A_30 : f32
    %min3A_32 = arith.constant 9.999900e+04 : f32
    %min3A_33 = arith.minimumf %max3A_31, %min3A_32 : f32
    %convert_element_type3A_34 = arith.fptosi %min3A_33 : f32 to i32
    %swap3A_35 = arith.constant 1 : i32
    %swap3A_36 = arith.index_cast %swap3A_35 : i32 to index
    %swap3A_37 = memref.load %arg7[%swap3A_36] : memref<8xi32, #tpu.memory_space<smem>>
    memref.store %convert_element_type3A_34, %arg7[%swap3A_36] : memref<8xi32, #tpu.memory_space<smem>>
    %and3A_38 = arith.constant 127 : i32
    %and3A_39 = arith.andi %convert_element_type3A_34, %and3A_38 : i32
    %sub3A_40 = arith.subi %convert_element_type3A_34, %and3A_39 : i32
    %swap3A_41 = arith.constant 1 : i32
    %swap3A_42 = arith.index_cast %swap3A_41 : i32 to index
    %swap3A_43 = memref.load %arg8[%swap3A_42] : memref<8xi32, #tpu.memory_space<smem>>
    memref.store %sub3A_40, %arg8[%swap3A_42] : memref<8xi32, #tpu.memory_space<smem>>
    %get3A_44 = arith.constant 2 : i32
    %get3A_45 = arith.index_cast %get3A_44 : i32 to index
    %get3A_46 = arith.constant 0 : index
    %get3A_47 = tpu.vector_load %arg5[%get3A_45, %get3A_46] {strides = array<i32>} : memref<8x128xf32, #tpu.memory_space<vmem>>, vector<1x16xf32>,
    %get3A_48 = vector.shape_cast %get3A_47 : vector<1x16xf32> to vector<16xf32>
    %slice3A_49 = vector.extract_strided_slice %get3A_48 {offsets = [0], sizes = [1], strides = [1]} : vector<16xf32> to vector<1xf32>
    %squeeze3A_50 = vector.extract %slice3A_49[0] : f32 from vector<1xf32>
    %add3A_51 = arith.constant 0x4B400000 : f32
    %add3A_52 = arith.addf %squeeze3A_50, %add3A_51 : f32
    %sub3A_53 = arith.constant 0x4B400000 : f32
    %sub3A_54 = arith.subf %add3A_52, %sub3A_53 : f32
    %max3A_55 = arith.constant 0.000000e+00 : f32
    %max3A_56 = arith.maximumf %sub3A_54, %max3A_55 : f32
    %min3A_57 = arith.constant 9.999900e+04 : f32
    %min3A_58 = arith.minimumf %max3A_56, %min3A_57 : f32
    %convert_element_type3A_59 = arith.fptosi %min3A_58 : f32 to i32
    %swap3A_60 = arith.constant 2 : i32
    %swap3A_61 = arith.index_cast %swap3A_60 : i32 to index
    %swap3A_62 = memref.load %arg7[%swap3A_61] : memref<8xi32, #tpu.memory_space<smem>>
    memref.store %convert_element_type3A_59, %arg7[%swap3A_61] : memref<8xi32, #tpu.memory_space<smem>>
    %and3A_63 = arith.constant 127 : i32
    %and3A_64 = arith.andi %convert_element_type3A_59, %and3A_63 : i32
    %sub3A_65 = arith.subi %convert_element_type3A_59, %and3A_64 : i32
    %swap3A_66 = arith.constant 2 : i32
    %swap3A_67 = arith.index_cast %swap3A_66 : i32 to index
    %swap3A_68 = memref.load %arg8[%swap3A_67] : memref<8xi32, #tpu.memory_space<smem>>
    memref.store %sub3A_65, %arg8[%swap3A_67] : memref<8xi32, #tpu.memory_space<smem>>
    %get3A_69 = arith.constant 3 : i32
    %get3A_70 = arith.index_cast %get3A_69 : i32 to index
    %get3A_71 = arith.constant 0 : index
    %get3A_72 = tpu.vector_load %arg5[%get3A_70, %get3A_71] {strides = array<i32>} : memref<8x128xf32, #tpu.memory_space<vmem>>, vector<1x16xf32>,
    %get3A_73 = vector.shape_cast %get3A_72 : vector<1x16xf32> to vector<16xf32>
    %slice3A_74 = vector.extract_strided_slice %get3A_73 {offsets = [0], sizes = [1], strides = [1]} : vector<16xf32> to vector<1xf32>
    %squeeze3A_75 = vector.extract %slice3A_74[0] : f32 from vector<1xf32>
    %add3A_76 = arith.constant 0x4B400000 : f32
    %add3A_77 = arith.addf %squeeze3A_75, %add3A_76 : f32
    %sub3A_78 = arith.constant 0x4B400000 : f32
    %sub3A_79 = arith.subf %add3A_77, %sub3A_78 : f32
    %max3A_80 = arith.constant 0.000000e+00 : f32
    %max3A_81 = arith.maximumf %sub3A_79, %max3A_80 : f32
    %min3A_82 = arith.constant 9.999900e+04 : f32
    %min3A_83 = arith.minimumf %max3A_81, %min3A_82 : f32
    %convert_element_type3A_84 = arith.fptosi %min3A_83 : f32 to i32
    %swap3A_85 = arith.constant 3 : i32
    %swap3A_86 = arith.index_cast %swap3A_85 : i32 to index
    %swap3A_87 = memref.load %arg7[%swap3A_86] : memref<8xi32, #tpu.memory_space<smem>>
    memref.store %convert_element_type3A_84, %arg7[%swap3A_86] : memref<8xi32, #tpu.memory_space<smem>>
    %and3A_88 = arith.constant 127 : i32
    %and3A_89 = arith.andi %convert_element_type3A_84, %and3A_88 : i32
    %sub3A_90 = arith.subi %convert_element_type3A_84, %and3A_89 : i32
    %swap3A_91 = arith.constant 3 : i32
    %swap3A_92 = arith.index_cast %swap3A_91 : i32 to index
    %swap3A_93 = memref.load %arg8[%swap3A_92] : memref<8xi32, #tpu.memory_space<smem>>
    memref.store %sub3A_90, %arg8[%swap3A_92] : memref<8xi32, #tpu.memory_space<smem>>
    %get3A_94 = arith.constant 4 : i32
    %get3A_95 = arith.index_cast %get3A_94 : i32 to index
    %get3A_96 = arith.constant 0 : index
    %get3A_97 = tpu.vector_load %arg5[%get3A_95, %get3A_96] {strides = array<i32>} : memref<8x128xf32, #tpu.memory_space<vmem>>, vector<1x16xf32>,
    %get3A_98 = vector.shape_cast %get3A_97 : vector<1x16xf32> to vector<16xf32>
    %slice3A_99 = vector.extract_strided_slice %get3A_98 {offsets = [0], sizes = [1], strides = [1]} : vector<16xf32> to vector<1xf32>
    %squeeze3A_100 = vector.extract %slice3A_99[0] : f32 from vector<1xf32>
    %add3A_101 = arith.constant 0x4B400000 : f32
    %add3A_102 = arith.addf %squeeze3A_100, %add3A_101 : f32
    %sub3A_103 = arith.constant 0x4B400000 : f32
    %sub3A_104 = arith.subf %add3A_102, %sub3A_103 : f32
    %max3A_105 = arith.constant 0.000000e+00 : f32
    %max3A_106 = arith.maximumf %sub3A_104, %max3A_105 : f32
    %min3A_107 = arith.constant 9.999900e+04 : f32
    %min3A_108 = arith.minimumf %max3A_106, %min3A_107 : f32
    %convert_element_type3A_109 = arith.fptosi %min3A_108 : f32 to i32
    %swap3A_110 = arith.constant 4 : i32
    %swap3A_111 = arith.index_cast %swap3A_110 : i32 to index
    %swap3A_112 = memref.load %arg7[%swap3A_111] : memref<8xi32, #tpu.memory_space<smem>>
    memref.store %convert_element_type3A_109, %arg7[%swap3A_111] : memref<8xi32, #tpu.memory_space<smem>>
    %and3A_113 = arith.constant 127 : i32
    %and3A_114 = arith.andi %convert_element_type3A_109, %and3A_113 : i32
    %sub3A_115 = arith.subi %convert_element_type3A_109, %and3A_114 : i32
    %swap3A_116 = arith.constant 4 : i32
    %swap3A_117 = arith.index_cast %swap3A_116 : i32 to index
    %swap3A_118 = memref.load %arg8[%swap3A_117] : memref<8xi32, #tpu.memory_space<smem>>
    memref.store %sub3A_115, %arg8[%swap3A_117] : memref<8xi32, #tpu.memory_space<smem>>
    %get3A_119 = arith.constant 5 : i32
    %get3A_120 = arith.index_cast %get3A_119 : i32 to index
    %get3A_121 = arith.constant 0 : index
    %get3A_122 = tpu.vector_load %arg5[%get3A_120, %get3A_121] {strides = array<i32>} : memref<8x128xf32, #tpu.memory_space<vmem>>, vector<1x16xf32>,
    %get3A_123 = vector.shape_cast %get3A_122 : vector<1x16xf32> to vector<16xf32>
    %slice3A_124 = vector.extract_strided_slice %get3A_123 {offsets = [0], sizes = [1], strides = [1]} : vector<16xf32> to vector<1xf32>
    %squeeze3A_125 = vector.extract %slice3A_124[0] : f32 from vector<1xf32>
    %add3A_126 = arith.constant 0x4B400000 : f32
    %add3A_127 = arith.addf %squeeze3A_125, %add3A_126 : f32
    %sub3A_128 = arith.constant 0x4B400000 : f32
    %sub3A_129 = arith.subf %add3A_127, %sub3A_128 : f32
    %max3A_130 = arith.constant 0.000000e+00 : f32
    %max3A_131 = arith.maximumf %sub3A_129, %max3A_130 : f32
    %min3A_132 = arith.constant 9.999900e+04 : f32
    %min3A_133 = arith.minimumf %max3A_131, %min3A_132 : f32
    %convert_element_type3A_134 = arith.fptosi %min3A_133 : f32 to i32
    %swap3A_135 = arith.constant 5 : i32
    %swap3A_136 = arith.index_cast %swap3A_135 : i32 to index
    %swap3A_137 = memref.load %arg7[%swap3A_136] : memref<8xi32, #tpu.memory_space<smem>>
    memref.store %convert_element_type3A_134, %arg7[%swap3A_136] : memref<8xi32, #tpu.memory_space<smem>>
    %and3A_138 = arith.constant 127 : i32
    %and3A_139 = arith.andi %convert_element_type3A_134, %and3A_138 : i32
    %sub3A_140 = arith.subi %convert_element_type3A_134, %and3A_139 : i32
    %swap3A_141 = arith.constant 5 : i32
    %swap3A_142 = arith.index_cast %swap3A_141 : i32 to index
    %swap3A_143 = memref.load %arg8[%swap3A_142] : memref<8xi32, #tpu.memory_space<smem>>
    memref.store %sub3A_140, %arg8[%swap3A_142] : memref<8xi32, #tpu.memory_space<smem>>
    %get3A_144 = arith.constant 6 : i32
    %get3A_145 = arith.index_cast %get3A_144 : i32 to index
    %get3A_146 = arith.constant 0 : index
    %get3A_147 = tpu.vector_load %arg5[%get3A_145, %get3A_146] {strides = array<i32>} : memref<8x128xf32, #tpu.memory_space<vmem>>, vector<1x16xf32>,
    %get3A_148 = vector.shape_cast %get3A_147 : vector<1x16xf32> to vector<16xf32>
    %slice3A_149 = vector.extract_strided_slice %get3A_148 {offsets = [0], sizes = [1], strides = [1]} : vector<16xf32> to vector<1xf32>
    %squeeze3A_150 = vector.extract %slice3A_149[0] : f32 from vector<1xf32>
    %add3A_151 = arith.constant 0x4B400000 : f32
    %add3A_152 = arith.addf %squeeze3A_150, %add3A_151 : f32
    %sub3A_153 = arith.constant 0x4B400000 : f32
    %sub3A_154 = arith.subf %add3A_152, %sub3A_153 : f32
    %max3A_155 = arith.constant 0.000000e+00 : f32
    %max3A_156 = arith.maximumf %sub3A_154, %max3A_155 : f32
    %min3A_157 = arith.constant 9.999900e+04 : f32
    %min3A_158 = arith.minimumf %max3A_156, %min3A_157 : f32
    %convert_element_type3A_159 = arith.fptosi %min3A_158 : f32 to i32
    %swap3A_160 = arith.constant 6 : i32
    %swap3A_161 = arith.index_cast %swap3A_160 : i32 to index
    %swap3A_162 = memref.load %arg7[%swap3A_161] : memref<8xi32, #tpu.memory_space<smem>>
    memref.store %convert_element_type3A_159, %arg7[%swap3A_161] : memref<8xi32, #tpu.memory_space<smem>>
    %and3A_163 = arith.constant 127 : i32
    %and3A_164 = arith.andi %convert_element_type3A_159, %and3A_163 : i32
    %sub3A_165 = arith.subi %convert_element_type3A_159, %and3A_164 : i32
    %swap3A_166 = arith.constant 6 : i32
    %swap3A_167 = arith.index_cast %swap3A_166 : i32 to index
    %swap3A_168 = memref.load %arg8[%swap3A_167] : memref<8xi32, #tpu.memory_space<smem>>
    memref.store %sub3A_165, %arg8[%swap3A_167] : memref<8xi32, #tpu.memory_space<smem>>
    %get3A_169 = arith.constant 7 : i32
    %get3A_170 = arith.index_cast %get3A_169 : i32 to index
    %get3A_171 = arith.constant 0 : index
    %get3A_172 = tpu.vector_load %arg5[%get3A_170, %get3A_171] {strides = array<i32>} : memref<8x128xf32, #tpu.memory_space<vmem>>, vector<1x16xf32>,
    %get3A_173 = vector.shape_cast %get3A_172 : vector<1x16xf32> to vector<16xf32>
    %slice3A_174 = vector.extract_strided_slice %get3A_173 {offsets = [0], sizes = [1], strides = [1]} : vector<16xf32> to vector<1xf32>
    %squeeze3A_175 = vector.extract %slice3A_174[0] : f32 from vector<1xf32>
    %add3A_176 = arith.constant 0x4B400000 : f32
    %add3A_177 = arith.addf %squeeze3A_175, %add3A_176 : f32
    %sub3A_178 = arith.constant 0x4B400000 : f32
    %sub3A_179 = arith.subf %add3A_177, %sub3A_178 : f32
    %max3A_180 = arith.constant 0.000000e+00 : f32
    %max3A_181 = arith.maximumf %sub3A_179, %max3A_180 : f32
    %min3A_182 = arith.constant 9.999900e+04 : f32
    %min3A_183 = arith.minimumf %max3A_181, %min3A_182 : f32
    %convert_element_type3A_184 = arith.fptosi %min3A_183 : f32 to i32
    %swap3A_185 = arith.constant 7 : i32
    %swap3A_186 = arith.index_cast %swap3A_185 : i32 to index
    %swap3A_187 = memref.load %arg7[%swap3A_186] : memref<8xi32, #tpu.memory_space<smem>>
    memref.store %convert_element_type3A_184, %arg7[%swap3A_186] : memref<8xi32, #tpu.memory_space<smem>>
    %and3A_188 = arith.constant 127 : i32
    %and3A_189 = arith.andi %convert_element_type3A_184, %and3A_188 : i32
    %sub3A_190 = arith.subi %convert_element_type3A_184, %and3A_189 : i32
    %swap3A_191 = arith.constant 7 : i32
    %swap3A_192 = arith.index_cast %swap3A_191 : i32 to index
    %swap3A_193 = memref.load %arg8[%swap3A_192] : memref<8xi32, #tpu.memory_space<smem>>
    memref.store %sub3A_190, %arg8[%swap3A_192] : memref<8xi32, #tpu.memory_space<smem>>
    %scan3A = arith.constant 0 : i32
    %scan3A_194 = arith.constant 0 : i32
    %scan3A_195 = arith.constant 64 : i32
    %scan3A_196 = arith.addi %scan3A_194, %scan3A_195 : i32
    %scan3A_197 = arith.constant 1 : i32
    scf.for %scan3A_404 = %scan3A_194 to %scan3A_196 step %scan3A_197  : i32 {
      %jit3A = arith.constant 8 : i32
      %div3A = arith.divsi %scan3A_404, %jit3A : i32
      %sign3A = arith.constant 0 : i32
      %sign3A_405 = arith.cmpi sgt, %scan3A_404, %sign3A : i32
      %sign3A_406 = arith.extui %sign3A_405 : i1 to i32
      %sign3A_407 = arith.constant 0 : i32
      %sign3A_408 = arith.cmpi slt, %scan3A_404, %sign3A_407 : i32
      %sign3A_409 = arith.extui %sign3A_408 : i1 to i32
      %sign3A_410 = arith.subi %sign3A_406, %sign3A_409 : i32
      %sign3A_411 = arith.constant 0 : i32
      %sign3A_412 = arith.cmpi sgt, %jit3A, %sign3A_411 : i32
      %sign3A_413 = arith.extui %sign3A_412 : i1 to i32
      %sign3A_414 = arith.constant 0 : i32
      %sign3A_415 = arith.cmpi slt, %jit3A, %sign3A_414 : i32
      %sign3A_416 = arith.extui %sign3A_415 : i1 to i32
      %sign3A_417 = arith.subi %sign3A_413, %sign3A_416 : i32
      %ne3A = arith.cmpi ne, %sign3A_410, %sign3A_417 : i32
      %rem3A = arith.remsi %scan3A_404, %jit3A : i32
      %ne3A_418 = arith.constant 0 : i32
      %ne3A_419 = arith.cmpi ne, %rem3A, %ne3A_418 : i32
      %and3A_420 = arith.andi %ne3A, %ne3A_419 : i1
      %sub3A_421 = arith.constant 1 : i32
      %sub3A_422 = arith.subi %div3A, %sub3A_421 : i32
      %select_n3A = arith.select %and3A_420, %sub3A_422, %div3A : i32
      %mul3A_423 = arith.constant 8 : i32
      %mul3A_424 = arith.muli %select_n3A, %mul3A_423 : i32
      %sub3A_425 = arith.subi %scan3A_404, %mul3A_424 : i32
      %get3A_426 = arith.index_cast %select_n3A : i32 to index
      %get3A_427 = memref.load %arg8[%get3A_426] : memref<8xi32, #tpu.memory_space<smem>>
      %get3A_428 = arith.index_cast %sub3A_425 : i32 to index
      %get3A_429 = memref.load %arg7[%get3A_428] : memref<8xi32, #tpu.memory_space<smem>>
      %add3A_430 = arith.constant 0 : i32
      %add3A_431 = vector.broadcast %add3A_430 : i32 to vector<16xi32>
      %add3A_432 = arith.addi %iota3A, %add3A_431 : vector<16xi32>
      %add3A_433 = vector.broadcast %get3A_427 : i32 to vector<16xi32>
      %add3A_434 = arith.addi %add3A_433, %add3A_432 : vector<16xi32>
      %eq3A = vector.broadcast %get3A_429 : i32 to vector<16xi32>
      %eq3A_435 = arith.cmpi eq, %add3A_434, %eq3A : vector<16xi32>
      %jit3A_436 = arith.constant 5.000000e+00 : f32
      %jit3A_437 = arith.constant 0.000000e+00 : f32
      %broadcast_in_dim3A = vector.broadcast %jit3A_436 : f32 to vector<16xf32>
      %broadcast_in_dim3A_438 = vector.broadcast %jit3A_437 : f32 to vector<16xf32>
      %select_n3A_439 = arith.select %eq3A_435, %broadcast_in_dim3A, %broadcast_in_dim3A_438 : vector<16xi1>, vector<16xf32>
      %swap3A_440 = arith.index_cast %select_n3A : i32 to index
      %swap3A_441 = arith.index_cast %sub3A_425 : i32 to index
      %swap3A_442 = arith.constant 0 : index
      %swap3A_443 = tpu.vector_load %arg6[%swap3A_440, %swap3A_441, %swap3A_442] {strides = array<i32>} : memref<8x8x128xf32, #tpu.memory_space<vmem>>, vector<1x1x16xf32>,
      %swap3A_444 = vector.shape_cast %swap3A_443 : vector<1x1x16xf32> to vector<16xf32>
      %swap3A_445 = vector.shape_cast %select_n3A_439 : vector<16xf32> to vector<1x1x16xf32>
      tpu.vector_store %arg6[%swap3A_440, %swap3A_441, %swap3A_442], %swap3A_445 {strides = array<i32>} : memref<8x8x128xf32, #tpu.memory_space<vmem>>, vector<1x1x16xf32>,
      %add3A_446 = arith.constant 16 : i32
      %add3A_447 = vector.broadcast %add3A_446 : i32 to vector<16xi32>
      %add3A_448 = arith.addi %iota3A, %add3A_447 : vector<16xi32>
      %add3A_449 = vector.broadcast %get3A_427 : i32 to vector<16xi32>
      %add3A_450 = arith.addi %add3A_449, %add3A_448 : vector<16xi32>
      %eq3A_451 = vector.broadcast %get3A_429 : i32 to vector<16xi32>
      %eq3A_452 = arith.cmpi eq, %add3A_450, %eq3A_451 : vector<16xi32>
      %jit3A_453 = arith.constant 5.000000e+00 : f32
      %jit3A_454 = arith.constant 0.000000e+00 : f32
      %broadcast_in_dim3A_455 = vector.broadcast %jit3A_453 : f32 to vector<16xf32>
      %broadcast_in_dim3A_456 = vector.broadcast %jit3A_454 : f32 to vector<16xf32>
      %select_n3A_457 = arith.select %eq3A_452, %broadcast_in_dim3A_455, %broadcast_in_dim3A_456 : vector<16xi1>, vector<16xf32>
      %swap3A_458 = arith.index_cast %select_n3A : i32 to index
      %swap3A_459 = arith.index_cast %sub3A_425 : i32 to index
      %swap3A_460 = arith.constant 16 : index
      %swap3A_461 = tpu.vector_load %arg6[%swap3A_458, %swap3A_459, %swap3A_460] {strides = array<i32>} : memref<8x8x128xf32, #tpu.memory_space<vmem>>, vector<1x1x16xf32>,
      %swap3A_462 = vector.shape_cast %swap3A_461 : vector<1x1x16xf32> to vector<16xf32>
      %swap3A_463 = vector.shape_cast %select_n3A_457 : vector<16xf32> to vector<1x1x16xf32>
      tpu.vector_store %arg6[%swap3A_458, %swap3A_459, %swap3A_460], %swap3A_463 {strides = array<i32>} : memref<8x8x128xf32, #tpu.memory_space<vmem>>, vector<1x1x16xf32>,
      %add3A_464 = arith.constant 32 : i32
      %add3A_465 = vector.broadcast %add3A_464 : i32 to vector<16xi32>
      %add3A_466 = arith.addi %iota3A, %add3A_465 : vector<16xi32>
      %add3A_467 = vector.broadcast %get3A_427 : i32 to vector<16xi32>
      %add3A_468 = arith.addi %add3A_467, %add3A_466 : vector<16xi32>
      %eq3A_469 = vector.broadcast %get3A_429 : i32 to vector<16xi32>
      %eq3A_470 = arith.cmpi eq, %add3A_468, %eq3A_469 : vector<16xi32>
      %jit3A_471 = arith.constant 5.000000e+00 : f32
      %jit3A_472 = arith.constant 0.000000e+00 : f32
      %broadcast_in_dim3A_473 = vector.broadcast %jit3A_471 : f32 to vector<16xf32>
      %broadcast_in_dim3A_474 = vector.broadcast %jit3A_472 : f32 to vector<16xf32>
      %select_n3A_475 = arith.select %eq3A_470, %broadcast_in_dim3A_473, %broadcast_in_dim3A_474 : vector<16xi1>, vector<16xf32>
      %swap3A_476 = arith.index_cast %select_n3A : i32 to index
      %swap3A_477 = arith.index_cast %sub3A_425 : i32 to index
      %swap3A_478 = arith.constant 32 : index
      %swap3A_479 = tpu.vector_load %arg6[%swap3A_476, %swap3A_477, %swap3A_478] {strides = array<i32>} : memref<8x8x128xf32, #tpu.memory_space<vmem>>, vector<1x1x16xf32>,
      %swap3A_480 = vector.shape_cast %swap3A_479 : vector<1x1x16xf32> to vector<16xf32>
      %swap3A_481 = vector.shape_cast %select_n3A_475 : vector<16xf32> to vector<1x1x16xf32>
      tpu.vector_store %arg6[%swap3A_476, %swap3A_477, %swap3A_478], %swap3A_481 {strides = array<i32>} : memref<8x8x128xf32, #tpu.memory_space<vmem>>, vector<1x1x16xf32>,
      %add3A_482 = arith.constant 48 : i32
      %add3A_483 = vector.broadcast %add3A_482 : i32 to vector<16xi32>
      %add3A_484 = arith.addi %iota3A, %add3A_483 : vector<16xi32>
      %add3A_485 = vector.broadcast %get3A_427 : i32 to vector<16xi32>
      %add3A_486 = arith.addi %add3A_485, %add3A_484 : vector<16xi32>
      %eq3A_487 = vector.broadcast %get3A_429 : i32 to vector<16xi32>
      %eq3A_488 = arith.cmpi eq, %add3A_486, %eq3A_487 : vector<16xi32>
      %jit3A_489 = arith.constant 5.000000e+00 : f32
      %jit3A_490 = arith.constant 0.000000e+00 : f32
      %broadcast_in_dim3A_491 = vector.broadcast %jit3A_489 : f32 to vector<16xf32>
      %broadcast_in_dim3A_492 = vector.broadcast %jit3A_490 : f32 to vector<16xf32>
      %select_n3A_493 = arith.select %eq3A_488, %broadcast_in_dim3A_491, %broadcast_in_dim3A_492 : vector<16xi1>, vector<16xf32>
      %swap3A_494 = arith.index_cast %select_n3A : i32 to index
      %swap3A_495 = arith.index_cast %sub3A_425 : i32 to index
      %swap3A_496 = arith.constant 48 : index
      %swap3A_497 = tpu.vector_load %arg6[%swap3A_494, %swap3A_495, %swap3A_496] {strides = array<i32>} : memref<8x8x128xf32, #tpu.memory_space<vmem>>, vector<1x1x16xf32>,
      %swap3A_498 = vector.shape_cast %swap3A_497 : vector<1x1x16xf32> to vector<16xf32>
      %swap3A_499 = vector.shape_cast %select_n3A_493 : vector<16xf32> to vector<1x1x16xf32>
      tpu.vector_store %arg6[%swap3A_494, %swap3A_495, %swap3A_496], %swap3A_499 {strides = array<i32>} : memref<8x8x128xf32, #tpu.memory_space<vmem>>, vector<1x1x16xf32>,
      %add3A_500 = arith.constant 64 : i32
      %add3A_501 = vector.broadcast %add3A_500 : i32 to vector<16xi32>
      %add3A_502 = arith.addi %iota3A, %add3A_501 : vector<16xi32>
      %add3A_503 = vector.broadcast %get3A_427 : i32 to vector<16xi32>
      %add3A_504 = arith.addi %add3A_503, %add3A_502 : vector<16xi32>
      %eq3A_505 = vector.broadcast %get3A_429 : i32 to vector<16xi32>
      %eq3A_506 = arith.cmpi eq, %add3A_504, %eq3A_505 : vector<16xi32>
      %jit3A_507 = arith.constant 5.000000e+00 : f32
      %jit3A_508 = arith.constant 0.000000e+00 : f32
      %broadcast_in_dim3A_509 = vector.broadcast %jit3A_507 : f32 to vector<16xf32>
      %broadcast_in_dim3A_510 = vector.broadcast %jit3A_508 : f32 to vector<16xf32>
      %select_n3A_511 = arith.select %eq3A_506, %broadcast_in_dim3A_509, %broadcast_in_dim3A_510 : vector<16xi1>, vector<16xf32>
      %swap3A_512 = arith.index_cast %select_n3A : i32 to index
      %swap3A_513 = arith.index_cast %sub3A_425 : i32 to index
      %swap3A_514 = arith.constant 64 : index
      %swap3A_515 = tpu.vector_load %arg6[%swap3A_512, %swap3A_513, %swap3A_514] {strides = array<i32>} : memref<8x8x128xf32, #tpu.memory_space<vmem>>, vector<1x1x16xf32>,
      %swap3A_516 = vector.shape_cast %swap3A_515 : vector<1x1x16xf32> to vector<16xf32>
      %swap3A_517 = vector.shape_cast %select_n3A_511 : vector<16xf32> to vector<1x1x16xf32>
      tpu.vector_store %arg6[%swap3A_512, %swap3A_513, %swap3A_514], %swap3A_517 {strides = array<i32>} : memref<8x8x128xf32, #tpu.memory_space<vmem>>, vector<1x1x16xf32>,
      %add3A_518 = arith.constant 80 : i32
      %add3A_519 = vector.broadcast %add3A_518 : i32 to vector<16xi32>
      %add3A_520 = arith.addi %iota3A, %add3A_519 : vector<16xi32>
      %add3A_521 = vector.broadcast %get3A_427 : i32 to vector<16xi32>
      %add3A_522 = arith.addi %add3A_521, %add3A_520 : vector<16xi32>
      %eq3A_523 = vector.broadcast %get3A_429 : i32 to vector<16xi32>
      %eq3A_524 = arith.cmpi eq, %add3A_522, %eq3A_523 : vector<16xi32>
      %jit3A_525 = arith.constant 5.000000e+00 : f32
      %jit3A_526 = arith.constant 0.000000e+00 : f32
      %broadcast_in_dim3A_527 = vector.broadcast %jit3A_525 : f32 to vector<16xf32>
      %broadcast_in_dim3A_528 = vector.broadcast %jit3A_526 : f32 to vector<16xf32>
      %select_n3A_529 = arith.select %eq3A_524, %broadcast_in_dim3A_527, %broadcast_in_dim3A_528 : vector<16xi1>, vector<16xf32>
      %swap3A_530 = arith.index_cast %select_n3A : i32 to index
      %swap3A_531 = arith.index_cast %sub3A_425 : i32 to index
      %swap3A_532 = arith.constant 80 : index
      %swap3A_533 = tpu.vector_load %arg6[%swap3A_530, %swap3A_531, %swap3A_532] {strides = array<i32>} : memref<8x8x128xf32, #tpu.memory_space<vmem>>, vector<1x1x16xf32>,
      %swap3A_534 = vector.shape_cast %swap3A_533 : vector<1x1x16xf32> to vector<16xf32>
      %swap3A_535 = vector.shape_cast %select_n3A_529 : vector<16xf32> to vector<1x1x16xf32>
      tpu.vector_store %arg6[%swap3A_530, %swap3A_531, %swap3A_532], %swap3A_535 {strides = array<i32>} : memref<8x8x128xf32, #tpu.memory_space<vmem>>, vector<1x1x16xf32>,
      %add3A_536 = arith.constant 96 : i32
      %add3A_537 = vector.broadcast %add3A_536 : i32 to vector<16xi32>
      %add3A_538 = arith.addi %iota3A, %add3A_537 : vector<16xi32>
      %add3A_539 = vector.broadcast %get3A_427 : i32 to vector<16xi32>
      %add3A_540 = arith.addi %add3A_539, %add3A_538 : vector<16xi32>
      %eq3A_541 = vector.broadcast %get3A_429 : i32 to vector<16xi32>
      %eq3A_542 = arith.cmpi eq, %add3A_540, %eq3A_541 : vector<16xi32>
      %jit3A_543 = arith.constant 5.000000e+00 : f32
      %jit3A_544 = arith.constant 0.000000e+00 : f32
      %broadcast_in_dim3A_545 = vector.broadcast %jit3A_543 : f32 to vector<16xf32>
      %broadcast_in_dim3A_546 = vector.broadcast %jit3A_544 : f32 to vector<16xf32>
      %select_n3A_547 = arith.select %eq3A_542, %broadcast_in_dim3A_545, %broadcast_in_dim3A_546 : vector<16xi1>, vector<16xf32>
      %swap3A_548 = arith.index_cast %select_n3A : i32 to index
      %swap3A_549 = arith.index_cast %sub3A_425 : i32 to index
      %swap3A_550 = arith.constant 96 : index
      %swap3A_551 = tpu.vector_load %arg6[%swap3A_548, %swap3A_549, %swap3A_550] {strides = array<i32>} : memref<8x8x128xf32, #tpu.memory_space<vmem>>, vector<1x1x16xf32>,
      %swap3A_552 = vector.shape_cast %swap3A_551 : vector<1x1x16xf32> to vector<16xf32>
      %swap3A_553 = vector.shape_cast %select_n3A_547 : vector<16xf32> to vector<1x1x16xf32>
      tpu.vector_store %arg6[%swap3A_548, %swap3A_549, %swap3A_550], %swap3A_553 {strides = array<i32>} : memref<8x8x128xf32, #tpu.memory_space<vmem>>, vector<1x1x16xf32>,
      %add3A_554 = arith.constant 112 : i32
      %add3A_555 = vector.broadcast %add3A_554 : i32 to vector<16xi32>
      %add3A_556 = arith.addi %iota3A, %add3A_555 : vector<16xi32>
      %add3A_557 = vector.broadcast %get3A_427 : i32 to vector<16xi32>
      %add3A_558 = arith.addi %add3A_557, %add3A_556 : vector<16xi32>
      %eq3A_559 = vector.broadcast %get3A_429 : i32 to vector<16xi32>
      %eq3A_560 = arith.cmpi eq, %add3A_558, %eq3A_559 : vector<16xi32>
      %jit3A_561 = arith.constant 5.000000e+00 : f32
      %jit3A_562 = arith.constant 0.000000e+00 : f32
      %broadcast_in_dim3A_563 = vector.broadcast %jit3A_561 : f32 to vector<16xf32>
      %broadcast_in_dim3A_564 = vector.broadcast %jit3A_562 : f32 to vector<16xf32>
      %select_n3A_565 = arith.select %eq3A_560, %broadcast_in_dim3A_563, %broadcast_in_dim3A_564 : vector<16xi1>, vector<16xf32>
      %swap3A_566 = arith.index_cast %select_n3A : i32 to index
      %swap3A_567 = arith.index_cast %sub3A_425 : i32 to index
      %swap3A_568 = arith.constant 112 : index
      %swap3A_569 = tpu.vector_load %arg6[%swap3A_566, %swap3A_567, %swap3A_568] {strides = array<i32>} : memref<8x8x128xf32, #tpu.memory_space<vmem>>, vector<1x1x16xf32>,
      %swap3A_570 = vector.shape_cast %swap3A_569 : vector<1x1x16xf32> to vector<16xf32>
      %swap3A_571 = vector.shape_cast %select_n3A_565 : vector<16xf32> to vector<1x1x16xf32>
      tpu.vector_store %arg6[%swap3A_566, %swap3A_567, %swap3A_568], %swap3A_571 {strides = array<i32>} : memref<8x8x128xf32, #tpu.memory_space<vmem>>, vector<1x1x16xf32>,
    }
    %scan3A_198 = arith.constant 64 : i32
    %get3A_199 = arith.constant 0 : i32
    %get3A_200 = arith.index_cast %get3A_199 : i32 to index
    %get3A_201 = memref.load %arg8[%get3A_200] : memref<8xi32, #tpu.memory_space<smem>>
    %multiple_of3A = tpu.assume_multiple %get3A_201, 128 : i32
    %dma_start3A = arith.constant 0 : i32
    %dma_start3A_202 = arith.constant 0 : i32
    %dma_start3A_203 = arith.constant 0 : i32
    %dma_start3A_204 = tpu.memref_slice %arg6[%dma_start3A, %dma_start3A_202, %dma_start3A_203] : memref<8x8x128xf32, #tpu.memory_space<vmem>> -> memref<1x8x128xf32, #tpu.memory_space<vmem>>
    %dma_start3A_205 = tpu.memref_squeeze %dma_start3A_204 : memref<1x8x128xf32, #tpu.memory_space<vmem>> -> memref<8x128xf32, #tpu.memory_space<vmem>>
    %dma_start3A_206 = tpu.memref_slice %arg3[%mul3A_2, %multiple_of3A] : memref<256x100000xf32, #tpu.memory_space<hbm>> -> memref<8x128xf32, #tpu.memory_space<hbm>>
    %dma_start3A_207 = tpu.memref_slice %arg3[%mul3A_2, %multiple_of3A] : memref<256x100000xf32, #tpu.memory_space<hbm>> -> memref<8x128xf32, #tpu.memory_space<hbm>>
    %dma_start3A_208 = arith.constant 0 : i32
    %dma_start3A_209 = arith.constant 0 : i32
    %dma_start3A_210 = tpu.memref_slice %arg6[%dma_start3A, %dma_start3A_208, %dma_start3A_209] : memref<8x8x128xf32, #tpu.memory_space<vmem>> -> memref<1x8x128xf32, #tpu.memory_space<vmem>>
    %dma_start3A_211 = tpu.memref_squeeze %dma_start3A_210 : memref<1x8x128xf32, #tpu.memory_space<vmem>> -> memref<8x128xf32, #tpu.memory_space<vmem>>
    tpu.enqueue_dma source(%dma_start3A_211 : memref<8x128xf32, #tpu.memory_space<vmem>>) target(%dma_start3A_207 : memref<8x128xf32, #tpu.memory_space<hbm>>) target_semaphore(%arg9 : memref<!tpu.dma_semaphore, #tpu.memory_space<semaphore_mem>>)
    %get3A_212 = arith.constant 1 : i32
    %get3A_213 = arith.index_cast %get3A_212 : i32 to index
    %get3A_214 = memref.load %arg8[%get3A_213] : memref<8xi32, #tpu.memory_space<smem>>
    %multiple_of3A_215 = tpu.assume_multiple %get3A_214, 128 : i32
    %dma_start3A_216 = arith.constant 1 : i32
    %dma_start3A_217 = arith.constant 0 : i32
    %dma_start3A_218 = arith.constant 0 : i32
    %dma_start3A_219 = tpu.memref_slice %arg6[%dma_start3A_216, %dma_start3A_217, %dma_start3A_218] : memref<8x8x128xf32, #tpu.memory_space<vmem>> -> memref<1x8x128xf32, #tpu.memory_space<vmem>>
    %dma_start3A_220 = tpu.memref_squeeze %dma_start3A_219 : memref<1x8x128xf32, #tpu.memory_space<vmem>> -> memref<8x128xf32, #tpu.memory_space<vmem>>
    %dma_start3A_221 = tpu.memref_slice %arg3[%mul3A_2, %multiple_of3A_215] : memref<256x100000xf32, #tpu.memory_space<hbm>> -> memref<8x128xf32, #tpu.memory_space<hbm>>
    %dma_start3A_222 = tpu.memref_slice %arg3[%mul3A_2, %multiple_of3A_215] : memref<256x100000xf32, #tpu.memory_space<hbm>> -> memref<8x128xf32, #tpu.memory_space<hbm>>
    %dma_start3A_223 = arith.constant 0 : i32
    %dma_start3A_224 = arith.constant 0 : i32
    %dma_start3A_225 = tpu.memref_slice %arg6[%dma_start3A_216, %dma_start3A_223, %dma_start3A_224] : memref<8x8x128xf32, #tpu.memory_space<vmem>> -> memref<1x8x128xf32, #tpu.memory_space<vmem>>
    %dma_start3A_226 = tpu.memref_squeeze %dma_start3A_225 : memref<1x8x128xf32, #tpu.memory_space<vmem>> -> memref<8x128xf32, #tpu.memory_space<vmem>>
    tpu.enqueue_dma source(%dma_start3A_226 : memref<8x128xf32, #tpu.memory_space<vmem>>) target(%dma_start3A_222 : memref<8x128xf32, #tpu.memory_space<hbm>>) target_semaphore(%arg9 : memref<!tpu.dma_semaphore, #tpu.memory_space<semaphore_mem>>)
    %get3A_227 = arith.constant 2 : i32
    %get3A_228 = arith.index_cast %get3A_227 : i32 to index
    %get3A_229 = memref.load %arg8[%get3A_228] : memref<8xi32, #tpu.memory_space<smem>>
    %multiple_of3A_230 = tpu.assume_multiple %get3A_229, 128 : i32
    %dma_start3A_231 = arith.constant 2 : i32
    %dma_start3A_232 = arith.constant 0 : i32
    %dma_start3A_233 = arith.constant 0 : i32
    %dma_start3A_234 = tpu.memref_slice %arg6[%dma_start3A_231, %dma_start3A_232, %dma_start3A_233] : memref<8x8x128xf32, #tpu.memory_space<vmem>> -> memref<1x8x128xf32, #tpu.memory_space<vmem>>
    %dma_start3A_235 = tpu.memref_squeeze %dma_start3A_234 : memref<1x8x128xf32, #tpu.memory_space<vmem>> -> memref<8x128xf32, #tpu.memory_space<vmem>>
    %dma_start3A_236 = tpu.memref_slice %arg3[%mul3A_2, %multiple_of3A_230] : memref<256x100000xf32, #tpu.memory_space<hbm>> -> memref<8x128xf32, #tpu.memory_space<hbm>>
    %dma_start3A_237 = tpu.memref_slice %arg3[%mul3A_2, %multiple_of3A_230] : memref<256x100000xf32, #tpu.memory_space<hbm>> -> memref<8x128xf32, #tpu.memory_space<hbm>>
    %dma_start3A_238 = arith.constant 0 : i32
    %dma_start3A_239 = arith.constant 0 : i32
    %dma_start3A_240 = tpu.memref_slice %arg6[%dma_start3A_231, %dma_start3A_238, %dma_start3A_239] : memref<8x8x128xf32, #tpu.memory_space<vmem>> -> memref<1x8x128xf32, #tpu.memory_space<vmem>>
    %dma_start3A_241 = tpu.memref_squeeze %dma_start3A_240 : memref<1x8x128xf32, #tpu.memory_space<vmem>> -> memref<8x128xf32, #tpu.memory_space<vmem>>
    tpu.enqueue_dma source(%dma_start3A_241 : memref<8x128xf32, #tpu.memory_space<vmem>>) target(%dma_start3A_237 : memref<8x128xf32, #tpu.memory_space<hbm>>) target_semaphore(%arg9 : memref<!tpu.dma_semaphore, #tpu.memory_space<semaphore_mem>>)
    %get3A_242 = arith.constant 3 : i32
    %get3A_243 = arith.index_cast %get3A_242 : i32 to index
    %get3A_244 = memref.load %arg8[%get3A_243] : memref<8xi32, #tpu.memory_space<smem>>
    %multiple_of3A_245 = tpu.assume_multiple %get3A_244, 128 : i32
    %dma_start3A_246 = arith.constant 3 : i32
    %dma_start3A_247 = arith.constant 0 : i32
    %dma_start3A_248 = arith.constant 0 : i32
    %dma_start3A_249 = tpu.memref_slice %arg6[%dma_start3A_246, %dma_start3A_247, %dma_start3A_248] : memref<8x8x128xf32, #tpu.memory_space<vmem>> -> memref<1x8x128xf32, #tpu.memory_space<vmem>>
    %dma_start3A_250 = tpu.memref_squeeze %dma_start3A_249 : memref<1x8x128xf32, #tpu.memory_space<vmem>> -> memref<8x128xf32, #tpu.memory_space<vmem>>
    %dma_start3A_251 = tpu.memref_slice %arg3[%mul3A_2, %multiple_of3A_245] : memref<256x100000xf32, #tpu.memory_space<hbm>> -> memref<8x128xf32, #tpu.memory_space<hbm>>
    %dma_start3A_252 = tpu.memref_slice %arg3[%mul3A_2, %multiple_of3A_245] : memref<256x100000xf32, #tpu.memory_space<hbm>> -> memref<8x128xf32, #tpu.memory_space<hbm>>
    %dma_start3A_253 = arith.constant 0 : i32
    %dma_start3A_254 = arith.constant 0 : i32
    %dma_start3A_255 = tpu.memref_slice %arg6[%dma_start3A_246, %dma_start3A_253, %dma_start3A_254] : memref<8x8x128xf32, #tpu.memory_space<vmem>> -> memref<1x8x128xf32, #tpu.memory_space<vmem>>
    %dma_start3A_256 = tpu.memref_squeeze %dma_start3A_255 : memref<1x8x128xf32, #tpu.memory_space<vmem>> -> memref<8x128xf32, #tpu.memory_space<vmem>>
    tpu.enqueue_dma source(%dma_start3A_256 : memref<8x128xf32, #tpu.memory_space<vmem>>) target(%dma_start3A_252 : memref<8x128xf32, #tpu.memory_space<hbm>>) target_semaphore(%arg9 : memref<!tpu.dma_semaphore, #tpu.memory_space<semaphore_mem>>)
    %get3A_257 = arith.constant 4 : i32
    %get3A_258 = arith.index_cast %get3A_257 : i32 to index
    %get3A_259 = memref.load %arg8[%get3A_258] : memref<8xi32, #tpu.memory_space<smem>>
    %multiple_of3A_260 = tpu.assume_multiple %get3A_259, 128 : i32
    %dma_start3A_261 = arith.constant 4 : i32
    %dma_start3A_262 = arith.constant 0 : i32
    %dma_start3A_263 = arith.constant 0 : i32
    %dma_start3A_264 = tpu.memref_slice %arg6[%dma_start3A_261, %dma_start3A_262, %dma_start3A_263] : memref<8x8x128xf32, #tpu.memory_space<vmem>> -> memref<1x8x128xf32, #tpu.memory_space<vmem>>
    %dma_start3A_265 = tpu.memref_squeeze %dma_start3A_264 : memref<1x8x128xf32, #tpu.memory_space<vmem>> -> memref<8x128xf32, #tpu.memory_space<vmem>>
    %dma_start3A_266 = tpu.memref_slice %arg3[%mul3A_2, %multiple_of3A_260] : memref<256x100000xf32, #tpu.memory_space<hbm>> -> memref<8x128xf32, #tpu.memory_space<hbm>>
    %dma_start3A_267 = tpu.memref_slice %arg3[%mul3A_2, %multiple_of3A_260] : memref<256x100000xf32, #tpu.memory_space<hbm>> -> memref<8x128xf32, #tpu.memory_space<hbm>>
    %dma_start3A_268 = arith.constant 0 : i32
    %dma_start3A_269 = arith.constant 0 : i32
    %dma_start3A_270 = tpu.memref_slice %arg6[%dma_start3A_261, %dma_start3A_268, %dma_start3A_269] : memref<8x8x128xf32, #tpu.memory_space<vmem>> -> memref<1x8x128xf32, #tpu.memory_space<vmem>>
    %dma_start3A_271 = tpu.memref_squeeze %dma_start3A_270 : memref<1x8x128xf32, #tpu.memory_space<vmem>> -> memref<8x128xf32, #tpu.memory_space<vmem>>
    tpu.enqueue_dma source(%dma_start3A_271 : memref<8x128xf32, #tpu.memory_space<vmem>>) target(%dma_start3A_267 : memref<8x128xf32, #tpu.memory_space<hbm>>) target_semaphore(%arg9 : memref<!tpu.dma_semaphore, #tpu.memory_space<semaphore_mem>>)
    %get3A_272 = arith.constant 5 : i32
    %get3A_273 = arith.index_cast %get3A_272 : i32 to index
    %get3A_274 = memref.load %arg8[%get3A_273] : memref<8xi32, #tpu.memory_space<smem>>
    %multiple_of3A_275 = tpu.assume_multiple %get3A_274, 128 : i32
    %dma_start3A_276 = arith.constant 5 : i32
    %dma_start3A_277 = arith.constant 0 : i32
    %dma_start3A_278 = arith.constant 0 : i32
    %dma_start3A_279 = tpu.memref_slice %arg6[%dma_start3A_276, %dma_start3A_277, %dma_start3A_278] : memref<8x8x128xf32, #tpu.memory_space<vmem>> -> memref<1x8x128xf32, #tpu.memory_space<vmem>>
    %dma_start3A_280 = tpu.memref_squeeze %dma_start3A_279 : memref<1x8x128xf32, #tpu.memory_space<vmem>> -> memref<8x128xf32, #tpu.memory_space<vmem>>
    %dma_start3A_281 = tpu.memref_slice %arg3[%mul3A_2, %multiple_of3A_275] : memref<256x100000xf32, #tpu.memory_space<hbm>> -> memref<8x128xf32, #tpu.memory_space<hbm>>
    %dma_start3A_282 = tpu.memref_slice %arg3[%mul3A_2, %multiple_of3A_275] : memref<256x100000xf32, #tpu.memory_space<hbm>> -> memref<8x128xf32, #tpu.memory_space<hbm>>
    %dma_start3A_283 = arith.constant 0 : i32
    %dma_start3A_284 = arith.constant 0 : i32
    %dma_start3A_285 = tpu.memref_slice %arg6[%dma_start3A_276, %dma_start3A_283, %dma_start3A_284] : memref<8x8x128xf32, #tpu.memory_space<vmem>> -> memref<1x8x128xf32, #tpu.memory_space<vmem>>
    %dma_start3A_286 = tpu.memref_squeeze %dma_start3A_285 : memref<1x8x128xf32, #tpu.memory_space<vmem>> -> memref<8x128xf32, #tpu.memory_space<vmem>>
    tpu.enqueue_dma source(%dma_start3A_286 : memref<8x128xf32, #tpu.memory_space<vmem>>) target(%dma_start3A_282 : memref<8x128xf32, #tpu.memory_space<hbm>>) target_semaphore(%arg9 : memref<!tpu.dma_semaphore, #tpu.memory_space<semaphore_mem>>)
    %get3A_287 = arith.constant 6 : i32
    %get3A_288 = arith.index_cast %get3A_287 : i32 to index
    %get3A_289 = memref.load %arg8[%get3A_288] : memref<8xi32, #tpu.memory_space<smem>>
    %multiple_of3A_290 = tpu.assume_multiple %get3A_289, 128 : i32
    %dma_start3A_291 = arith.constant 6 : i32
    %dma_start3A_292 = arith.constant 0 : i32
    %dma_start3A_293 = arith.constant 0 : i32
    %dma_start3A_294 = tpu.memref_slice %arg6[%dma_start3A_291, %dma_start3A_292, %dma_start3A_293] : memref<8x8x128xf32, #tpu.memory_space<vmem>> -> memref<1x8x128xf32, #tpu.memory_space<vmem>>
    %dma_start3A_295 = tpu.memref_squeeze %dma_start3A_294 : memref<1x8x128xf32, #tpu.memory_space<vmem>> -> memref<8x128xf32, #tpu.memory_space<vmem>>
    %dma_start3A_296 = tpu.memref_slice %arg3[%mul3A_2, %multiple_of3A_290] : memref<256x100000xf32, #tpu.memory_space<hbm>> -> memref<8x128xf32, #tpu.memory_space<hbm>>
    %dma_start3A_297 = tpu.memref_slice %arg3[%mul3A_2, %multiple_of3A_290] : memref<256x100000xf32, #tpu.memory_space<hbm>> -> memref<8x128xf32, #tpu.memory_space<hbm>>
    %dma_start3A_298 = arith.constant 0 : i32
    %dma_start3A_299 = arith.constant 0 : i32
    %dma_start3A_300 = tpu.memref_slice %arg6[%dma_start3A_291, %dma_start3A_298, %dma_start3A_299] : memref<8x8x128xf32, #tpu.memory_space<vmem>> -> memref<1x8x128xf32, #tpu.memory_space<vmem>>
    %dma_start3A_301 = tpu.memref_squeeze %dma_start3A_300 : memref<1x8x128xf32, #tpu.memory_space<vmem>> -> memref<8x128xf32, #tpu.memory_space<vmem>>
    tpu.enqueue_dma source(%dma_start3A_301 : memref<8x128xf32, #tpu.memory_space<vmem>>) target(%dma_start3A_297 : memref<8x128xf32, #tpu.memory_space<hbm>>) target_semaphore(%arg9 : memref<!tpu.dma_semaphore, #tpu.memory_space<semaphore_mem>>)
    %get3A_302 = arith.constant 7 : i32
    %get3A_303 = arith.index_cast %get3A_302 : i32 to index
    %get3A_304 = memref.load %arg8[%get3A_303] : memref<8xi32, #tpu.memory_space<smem>>
    %multiple_of3A_305 = tpu.assume_multiple %get3A_304, 128 : i32
    %dma_start3A_306 = arith.constant 7 : i32
    %dma_start3A_307 = arith.constant 0 : i32
    %dma_start3A_308 = arith.constant 0 : i32
    %dma_start3A_309 = tpu.memref_slice %arg6[%dma_start3A_306, %dma_start3A_307, %dma_start3A_308] : memref<8x8x128xf32, #tpu.memory_space<vmem>> -> memref<1x8x128xf32, #tpu.memory_space<vmem>>
    %dma_start3A_310 = tpu.memref_squeeze %dma_start3A_309 : memref<1x8x128xf32, #tpu.memory_space<vmem>> -> memref<8x128xf32, #tpu.memory_space<vmem>>
    %dma_start3A_311 = tpu.memref_slice %arg3[%mul3A_2, %multiple_of3A_305] : memref<256x100000xf32, #tpu.memory_space<hbm>> -> memref<8x128xf32, #tpu.memory_space<hbm>>
    %dma_start3A_312 = tpu.memref_slice %arg3[%mul3A_2, %multiple_of3A_305] : memref<256x100000xf32, #tpu.memory_space<hbm>> -> memref<8x128xf32, #tpu.memory_space<hbm>>
    %dma_start3A_313 = arith.constant 0 : i32
    %dma_start3A_314 = arith.constant 0 : i32
    %dma_start3A_315 = tpu.memref_slice %arg6[%dma_start3A_306, %dma_start3A_313, %dma_start3A_314] : memref<8x8x128xf32, #tpu.memory_space<vmem>> -> memref<1x8x128xf32, #tpu.memory_space<vmem>>
    %dma_start3A_316 = tpu.memref_squeeze %dma_start3A_315 : memref<1x8x128xf32, #tpu.memory_space<vmem>> -> memref<8x128xf32, #tpu.memory_space<vmem>>
    tpu.enqueue_dma source(%dma_start3A_316 : memref<8x128xf32, #tpu.memory_space<vmem>>) target(%dma_start3A_312 : memref<8x128xf32, #tpu.memory_space<hbm>>) target_semaphore(%arg9 : memref<!tpu.dma_semaphore, #tpu.memory_space<semaphore_mem>>)
    %dma_wait3A = arith.constant 0 : i32
    %dma_wait3A_317 = arith.constant 0 : i32
    %dma_wait3A_318 = arith.constant 0 : i32
    %dma_wait3A_319 = tpu.memref_slice %arg6[%dma_wait3A, %dma_wait3A_317, %dma_wait3A_318] : memref<8x8x128xf32, #tpu.memory_space<vmem>> -> memref<1x8x128xf32, #tpu.memory_space<vmem>>
    %dma_wait3A_320 = tpu.memref_squeeze %dma_wait3A_319 : memref<1x8x128xf32, #tpu.memory_space<vmem>> -> memref<8x128xf32, #tpu.memory_space<vmem>>
    %dma_wait3A_321 = tpu.memref_slice %arg3[%mul3A_2, %multiple_of3A] : memref<256x100000xf32, #tpu.memory_space<hbm>> -> memref<8x128xf32, #tpu.memory_space<hbm>>
    %dma_wait3A_322 = tpu.memref_slice %arg3[%mul3A_2, %multiple_of3A] : memref<256x100000xf32, #tpu.memory_space<hbm>> -> memref<8x128xf32, #tpu.memory_space<hbm>>
    %dma_wait3A_323 = arith.constant 0 : i32
    %dma_wait3A_324 = arith.constant 0 : i32
    %dma_wait3A_325 = tpu.memref_slice %arg6[%dma_wait3A, %dma_wait3A_323, %dma_wait3A_324] : memref<8x8x128xf32, #tpu.memory_space<vmem>> -> memref<1x8x128xf32, #tpu.memory_space<vmem>>
    %dma_wait3A_326 = tpu.memref_squeeze %dma_wait3A_325 : memref<1x8x128xf32, #tpu.memory_space<vmem>> -> memref<8x128xf32, #tpu.memory_space<vmem>>
    tpu.wait_dma2 semaphore(%arg9 : memref<!tpu.dma_semaphore, #tpu.memory_space<semaphore_mem>>) src(%dma_wait3A_326 : memref<8x128xf32, #tpu.memory_space<vmem>>) dst(%dma_wait3A_322 : memref<8x128xf32, #tpu.memory_space<hbm>>)
    %dma_wait3A_327 = arith.constant 1 : i32
    %dma_wait3A_328 = arith.constant 0 : i32
    %dma_wait3A_329 = arith.constant 0 : i32
    %dma_wait3A_330 = tpu.memref_slice %arg6[%dma_wait3A_327, %dma_wait3A_328, %dma_wait3A_329] : memref<8x8x128xf32, #tpu.memory_space<vmem>> -> memref<1x8x128xf32, #tpu.memory_space<vmem>>
    %dma_wait3A_331 = tpu.memref_squeeze %dma_wait3A_330 : memref<1x8x128xf32, #tpu.memory_space<vmem>> -> memref<8x128xf32, #tpu.memory_space<vmem>>
    %dma_wait3A_332 = tpu.memref_slice %arg3[%mul3A_2, %multiple_of3A_215] : memref<256x100000xf32, #tpu.memory_space<hbm>> -> memref<8x128xf32, #tpu.memory_space<hbm>>
    %dma_wait3A_333 = tpu.memref_slice %arg3[%mul3A_2, %multiple_of3A_215] : memref<256x100000xf32, #tpu.memory_space<hbm>> -> memref<8x128xf32, #tpu.memory_space<hbm>>
    %dma_wait3A_334 = arith.constant 0 : i32
    %dma_wait3A_335 = arith.constant 0 : i32
    %dma_wait3A_336 = tpu.memref_slice %arg6[%dma_wait3A_327, %dma_wait3A_334, %dma_wait3A_335] : memref<8x8x128xf32, #tpu.memory_space<vmem>> -> memref<1x8x128xf32, #tpu.memory_space<vmem>>
    %dma_wait3A_337 = tpu.memref_squeeze %dma_wait3A_336 : memref<1x8x128xf32, #tpu.memory_space<vmem>> -> memref<8x128xf32, #tpu.memory_space<vmem>>
    tpu.wait_dma2 semaphore(%arg9 : memref<!tpu.dma_semaphore, #tpu.memory_space<semaphore_mem>>) src(%dma_wait3A_337 : memref<8x128xf32, #tpu.memory_space<vmem>>) dst(%dma_wait3A_333 : memref<8x128xf32, #tpu.memory_space<hbm>>)
    %dma_wait3A_338 = arith.constant 2 : i32
    %dma_wait3A_339 = arith.constant 0 : i32
    %dma_wait3A_340 = arith.constant 0 : i32
    %dma_wait3A_341 = tpu.memref_slice %arg6[%dma_wait3A_338, %dma_wait3A_339, %dma_wait3A_340] : memref<8x8x128xf32, #tpu.memory_space<vmem>> -> memref<1x8x128xf32, #tpu.memory_space<vmem>>
    %dma_wait3A_342 = tpu.memref_squeeze %dma_wait3A_341 : memref<1x8x128xf32, #tpu.memory_space<vmem>> -> memref<8x128xf32, #tpu.memory_space<vmem>>
    %dma_wait3A_343 = tpu.memref_slice %arg3[%mul3A_2, %multiple_of3A_230] : memref<256x100000xf32, #tpu.memory_space<hbm>> -> memref<8x128xf32, #tpu.memory_space<hbm>>
    %dma_wait3A_344 = tpu.memref_slice %arg3[%mul3A_2, %multiple_of3A_230] : memref<256x100000xf32, #tpu.memory_space<hbm>> -> memref<8x128xf32, #tpu.memory_space<hbm>>
    %dma_wait3A_345 = arith.constant 0 : i32
    %dma_wait3A_346 = arith.constant 0 : i32
    %dma_wait3A_347 = tpu.memref_slice %arg6[%dma_wait3A_338, %dma_wait3A_345, %dma_wait3A_346] : memref<8x8x128xf32, #tpu.memory_space<vmem>> -> memref<1x8x128xf32, #tpu.memory_space<vmem>>
    %dma_wait3A_348 = tpu.memref_squeeze %dma_wait3A_347 : memref<1x8x128xf32, #tpu.memory_space<vmem>> -> memref<8x128xf32, #tpu.memory_space<vmem>>
    tpu.wait_dma2 semaphore(%arg9 : memref<!tpu.dma_semaphore, #tpu.memory_space<semaphore_mem>>) src(%dma_wait3A_348 : memref<8x128xf32, #tpu.memory_space<vmem>>) dst(%dma_wait3A_344 : memref<8x128xf32, #tpu.memory_space<hbm>>)
    %dma_wait3A_349 = arith.constant 3 : i32
    %dma_wait3A_350 = arith.constant 0 : i32
    %dma_wait3A_351 = arith.constant 0 : i32
    %dma_wait3A_352 = tpu.memref_slice %arg6[%dma_wait3A_349, %dma_wait3A_350, %dma_wait3A_351] : memref<8x8x128xf32, #tpu.memory_space<vmem>> -> memref<1x8x128xf32, #tpu.memory_space<vmem>>
    %dma_wait3A_353 = tpu.memref_squeeze %dma_wait3A_352 : memref<1x8x128xf32, #tpu.memory_space<vmem>> -> memref<8x128xf32, #tpu.memory_space<vmem>>
    %dma_wait3A_354 = tpu.memref_slice %arg3[%mul3A_2, %multiple_of3A_245] : memref<256x100000xf32, #tpu.memory_space<hbm>> -> memref<8x128xf32, #tpu.memory_space<hbm>>
    %dma_wait3A_355 = tpu.memref_slice %arg3[%mul3A_2, %multiple_of3A_245] : memref<256x100000xf32, #tpu.memory_space<hbm>> -> memref<8x128xf32, #tpu.memory_space<hbm>>
    %dma_wait3A_356 = arith.constant 0 : i32
    %dma_wait3A_357 = arith.constant 0 : i32
    %dma_wait3A_358 = tpu.memref_slice %arg6[%dma_wait3A_349, %dma_wait3A_356, %dma_wait3A_357] : memref<8x8x128xf32, #tpu.memory_space<vmem>> -> memref<1x8x128xf32, #tpu.memory_space<vmem>>
    %dma_wait3A_359 = tpu.memref_squeeze %dma_wait3A_358 : memref<1x8x128xf32, #tpu.memory_space<vmem>> -> memref<8x128xf32, #tpu.memory_space<vmem>>
    tpu.wait_dma2 semaphore(%arg9 : memref<!tpu.dma_semaphore, #tpu.memory_space<semaphore_mem>>) src(%dma_wait3A_359 : memref<8x128xf32, #tpu.memory_space<vmem>>) dst(%dma_wait3A_355 : memref<8x128xf32, #tpu.memory_space<hbm>>)
    %dma_wait3A_360 = arith.constant 4 : i32
    %dma_wait3A_361 = arith.constant 0 : i32
    %dma_wait3A_362 = arith.constant 0 : i32
    %dma_wait3A_363 = tpu.memref_slice %arg6[%dma_wait3A_360, %dma_wait3A_361, %dma_wait3A_362] : memref<8x8x128xf32, #tpu.memory_space<vmem>> -> memref<1x8x128xf32, #tpu.memory_space<vmem>>
    %dma_wait3A_364 = tpu.memref_squeeze %dma_wait3A_363 : memref<1x8x128xf32, #tpu.memory_space<vmem>> -> memref<8x128xf32, #tpu.memory_space<vmem>>
    %dma_wait3A_365 = tpu.memref_slice %arg3[%mul3A_2, %multiple_of3A_260] : memref<256x100000xf32, #tpu.memory_space<hbm>> -> memref<8x128xf32, #tpu.memory_space<hbm>>
    %dma_wait3A_366 = tpu.memref_slice %arg3[%mul3A_2, %multiple_of3A_260] : memref<256x100000xf32, #tpu.memory_space<hbm>> -> memref<8x128xf32, #tpu.memory_space<hbm>>
    %dma_wait3A_367 = arith.constant 0 : i32
    %dma_wait3A_368 = arith.constant 0 : i32
    %dma_wait3A_369 = tpu.memref_slice %arg6[%dma_wait3A_360, %dma_wait3A_367, %dma_wait3A_368] : memref<8x8x128xf32, #tpu.memory_space<vmem>> -> memref<1x8x128xf32, #tpu.memory_space<vmem>>
    %dma_wait3A_370 = tpu.memref_squeeze %dma_wait3A_369 : memref<1x8x128xf32, #tpu.memory_space<vmem>> -> memref<8x128xf32, #tpu.memory_space<vmem>>
    tpu.wait_dma2 semaphore(%arg9 : memref<!tpu.dma_semaphore, #tpu.memory_space<semaphore_mem>>) src(%dma_wait3A_370 : memref<8x128xf32, #tpu.memory_space<vmem>>) dst(%dma_wait3A_366 : memref<8x128xf32, #tpu.memory_space<hbm>>)
    %dma_wait3A_371 = arith.constant 5 : i32
    %dma_wait3A_372 = arith.constant 0 : i32
    %dma_wait3A_373 = arith.constant 0 : i32
    %dma_wait3A_374 = tpu.memref_slice %arg6[%dma_wait3A_371, %dma_wait3A_372, %dma_wait3A_373] : memref<8x8x128xf32, #tpu.memory_space<vmem>> -> memref<1x8x128xf32, #tpu.memory_space<vmem>>
    %dma_wait3A_375 = tpu.memref_squeeze %dma_wait3A_374 : memref<1x8x128xf32, #tpu.memory_space<vmem>> -> memref<8x128xf32, #tpu.memory_space<vmem>>
    %dma_wait3A_376 = tpu.memref_slice %arg3[%mul3A_2, %multiple_of3A_275] : memref<256x100000xf32, #tpu.memory_space<hbm>> -> memref<8x128xf32, #tpu.memory_space<hbm>>
    %dma_wait3A_377 = tpu.memref_slice %arg3[%mul3A_2, %multiple_of3A_275] : memref<256x100000xf32, #tpu.memory_space<hbm>> -> memref<8x128xf32, #tpu.memory_space<hbm>>
    %dma_wait3A_378 = arith.constant 0 : i32
    %dma_wait3A_379 = arith.constant 0 : i32
    %dma_wait3A_380 = tpu.memref_slice %arg6[%dma_wait3A_371, %dma_wait3A_378, %dma_wait3A_379] : memref<8x8x128xf32, #tpu.memory_space<vmem>> -> memref<1x8x128xf32, #tpu.memory_space<vmem>>
    %dma_wait3A_381 = tpu.memref_squeeze %dma_wait3A_380 : memref<1x8x128xf32, #tpu.memory_space<vmem>> -> memref<8x128xf32, #tpu.memory_space<vmem>>
    tpu.wait_dma2 semaphore(%arg9 : memref<!tpu.dma_semaphore, #tpu.memory_space<semaphore_mem>>) src(%dma_wait3A_381 : memref<8x128xf32, #tpu.memory_space<vmem>>) dst(%dma_wait3A_377 : memref<8x128xf32, #tpu.memory_space<hbm>>)
    %dma_wait3A_382 = arith.constant 6 : i32
    %dma_wait3A_383 = arith.constant 0 : i32
    %dma_wait3A_384 = arith.constant 0 : i32
    %dma_wait3A_385 = tpu.memref_slice %arg6[%dma_wait3A_382, %dma_wait3A_383, %dma_wait3A_384] : memref<8x8x128xf32, #tpu.memory_space<vmem>> -> memref<1x8x128xf32, #tpu.memory_space<vmem>>
    %dma_wait3A_386 = tpu.memref_squeeze %dma_wait3A_385 : memref<1x8x128xf32, #tpu.memory_space<vmem>> -> memref<8x128xf32, #tpu.memory_space<vmem>>
    %dma_wait3A_387 = tpu.memref_slice %arg3[%mul3A_2, %multiple_of3A_290] : memref<256x100000xf32, #tpu.memory_space<hbm>> -> memref<8x128xf32, #tpu.memory_space<hbm>>
    %dma_wait3A_388 = tpu.memref_slice %arg3[%mul3A_2, %multiple_of3A_290] : memref<256x100000xf32, #tpu.memory_space<hbm>> -> memref<8x128xf32, #tpu.memory_space<hbm>>
    %dma_wait3A_389 = arith.constant 0 : i32
    %dma_wait3A_390 = arith.constant 0 : i32
    %dma_wait3A_391 = tpu.memref_slice %arg6[%dma_wait3A_382, %dma_wait3A_389, %dma_wait3A_390] : memref<8x8x128xf32, #tpu.memory_space<vmem>> -> memref<1x8x128xf32, #tpu.memory_space<vmem>>
    %dma_wait3A_392 = tpu.memref_squeeze %dma_wait3A_391 : memref<1x8x128xf32, #tpu.memory_space<vmem>> -> memref<8x128xf32, #tpu.memory_space<vmem>>
    tpu.wait_dma2 semaphore(%arg9 : memref<!tpu.dma_semaphore, #tpu.memory_space<semaphore_mem>>) src(%dma_wait3A_392 : memref<8x128xf32, #tpu.memory_space<vmem>>) dst(%dma_wait3A_388 : memref<8x128xf32, #tpu.memory_space<hbm>>)
    %dma_wait3A_393 = arith.constant 7 : i32
    %dma_wait3A_394 = arith.constant 0 : i32
    %dma_wait3A_395 = arith.constant 0 : i32
    %dma_wait3A_396 = tpu.memref_slice %arg6[%dma_wait3A_393, %dma_wait3A_394, %dma_wait3A_395] : memref<8x8x128xf32, #tpu.memory_space<vmem>> -> memref<1x8x128xf32, #tpu.memory_space<vmem>>
    %dma_wait3A_397 = tpu.memref_squeeze %dma_wait3A_396 : memref<1x8x128xf32, #tpu.memory_space<vmem>> -> memref<8x128xf32, #tpu.memory_space<vmem>>
    %dma_wait3A_398 = tpu.memref_slice %arg3[%mul3A_2, %multiple_of3A_305] : memref<256x100000xf32, #tpu.memory_space<hbm>> -> memref<8x128xf32, #tpu.memory_space<hbm>>
    %dma_wait3A_399 = tpu.memref_slice %arg3[%mul3A_2, %multiple_of3A_305] : memref<256x100000xf32, #tpu.memory_space<hbm>> -> memref<8x128xf32, #tpu.memory_space<hbm>>
    %dma_wait3A_400 = arith.constant 0 : i32
    %dma_wait3A_401 = arith.constant 0 : i32
    %dma_wait3A_402 = tpu.memref_slice %arg6[%dma_wait3A_393, %dma_wait3A_400, %dma_wait3A_401] : memref<8x8x128xf32, #tpu.memory_space<vmem>> -> memref<1x8x128xf32, #tpu.memory_space<vmem>>
    %dma_wait3A_403 = tpu.memref_squeeze %dma_wait3A_402 : memref<1x8x128xf32, #tpu.memory_space<vmem>> -> memref<8x128xf32, #tpu.memory_space<vmem>>
    tpu.wait_dma2 semaphore(%arg9 : memref<!tpu.dma_semaphore, #tpu.memory_space<semaphore_mem>>) src(%dma_wait3A_403 : memref<8x128xf32, #tpu.memory_space<vmem>>) dst(%dma_wait3A_399 : memref<8x128xf32, #tpu.memory_space<hbm>>)
    return
  }
}

module attributes {stable_mosaic.version = 14 : i64} {
  func.func @_zero_body(%arg0: i32, %arg1: memref<8x100000xf32, #tpu.memory_space<vmem>>) attributes {dimension_semantics = [#tpu.dimension_semantics<arbitrary>], iteration_bounds = array<i64: 32>, scalar_prefetch = 0 : i64, scratch_operands = 0 : i64, tpu.core_type = #tpu.core_type<tc>, window_params = [{transform_indices = @transform_0, window_bounds = array<i64: 8, 100000>}]} {
    %broadcast_in_dim3A = arith.constant 0.000000e+00 : f32
    %broadcast_in_dim3A_0 = vector.broadcast %broadcast_in_dim3A : f32 to vector<8x100000xf32>
    %swap3A = arith.constant 0 : index
    %swap3A_1 = arith.constant 0 : index
    %swap3A_2 = vector.load %arg1[%swap3A, %swap3A_1] : memref<8x100000xf32, #tpu.memory_space<vmem>>, vector<8x100000xf32>
    tpu.vector_store %arg1[%swap3A, %swap3A_1], %broadcast_in_dim3A_0 {strides = array<i32>} : memref<8x100000xf32, #tpu.memory_space<vmem>>, vector<8x100000xf32>,
    return
  }
  func.func @transform_0(%arg0: i32) -> (i32, i32) {
    %c0_i32 = arith.constant 0 : i32
    %c0_i32_0 = arith.constant 0 : i32
    return %arg0, %c0_i32 : i32, i32
  }
}

</mosaic_0001>

<sc_bundles>
// kernel: kernel.4.cloned.1.call-start
scs
__scs_entry_jumppad:
0x0: {  	(pc) =	sbr.rel $0x88, $3  }
0x1: {  	(tag) =	ssettag $0x0;
	lr =	simm.s32 $0x1  }
0x2: {  	[smem:$0x3FA0] =	sst lr;
	_ =	strace $0xD0000000  }
0x3: {  	_ = 	snop  }
0x4: {  	_ = 	snop  }
0x5: {  	_ = 	snop  }
0x6: {  	_ = 	snop  }
0x7: {  	_ = 	snop  }
__scs_overlays_trampoline_lowered:
0x8: {  	[smem:$0x3FAF] =	sst s0  }
0x9: {  	[smem:$0x3FB0] =	sst s1  }
0xa: {  	[smem:$0x3FB1] =	sst s2  }
0xb: {  	[smem:$0x3FB2] =	sst s3  }
0xc: {  	[smem:$0x3FB3] =	sst s4  }
0xd: {  	[smem:$0x3FB4] =	sst s5  }
0xe: {  	[smem:$0x3FB5] =	sst s6  }
0xf: {  	[smem:$0x3FB6] =	sst s7  }
0x10: {  	[smem:$0x3FB7] =	sst s8  }
0x11: {  	[smem:$0x3FB8] =	sst s9;
	s0 =	simm.s32 @!p0 $0x0  }
0x12: {  	s1 =	sld [smem:$0x3F9E];
	s0 =	simm.s32 @p0 $0x1  }
0x13: {  	[smem:$0x3FB9] =	sst s0;
	s0 =	simm.s32 @!p1 $0x0  }
0x14: {  	s2 =	sld [smem:$0x3F9D];
	s0 =	simm.s32 @p1 $0x1  }
0x15: {  	[smem:$0x3FBA] =	sst s0;
	s0 =	simm.s32 @!p2 $0x0  }
0x16: {  	s3 =	sld [smem:$0x3FDB];
	s0 =	simm.s32 @p2 $0x1  }
0x17: {  	s4 =	simm.s32 $0x1BF5;
	[smem:$0x3FBC] =	sst s0  }
0x18: {  	s0 =	sld [smem:$0x3F9F];
	_ =	swait.ge [sflag:s4], $0x0  }
0x19: {  	s7 =	sld [smem:$0x3FA0]  }
0x1a: {  	s8 =	sadd.s32 $0xFFFFE003, lr  }
0x1b: {  	s9 =	sadd.s32 $0xFFFFFEF7, lr;
	s5 =	simm.s32 $0xFFFFFFFF;
	p2 =	slt.u32 s8, $0xFFFFF086  }
0x1c: {  	p1 =	slt.u32 s9, $0xF7A;
	s5 =	simm.s32 @!p2 $0x0  }
0x1d: {  	s5 =	simm.s32 @p1 $0x1;
	p0 =	seq.s32 s7, s2  }
0x1e: {  	s7 =	smul.u32 @!p0 $0xF7A, s2;
	p2 =	seq.s32 @!p0 s5, $0x0  }
0x1f: {  	s9 =	smul.u32 $0xF7A, s1;
	s8 =	simm.s32 @!p0 $0x1BF5;
	p2 =	por !p2, p0  }
0x20: {  	[sflag:s8] =	ssyncset.s32 @!p0 $0xFFFFF086;
	s6 =	sadd.s32 @!p0 s3, s7;
	s7 =	simm.s32 @!p0 $0x108  }
0x21: {  	s3 =	sadd.s32 s3, s9;
	s6 =	sadd.s32 @!p0 $0x88, s6;
	s7 =	simm.s32 @p2 $0x1082  }
0x22: {  	[simem:s7], [sflag:s8] =	dma.local @!p0 [hbm:s6], $0xF7A  }
0x23: {  	s9 =	sor.u32 $0xD0000000, s2;
	s6 =	simm.s32 $0x108;
	_ =	swait.ge @!p0 [sflag:s8], $0x0  }
0x24: {  	s3 =	sadd.s32 $0x88, s3;
	s6 =	simm.s32 @!p1 $0x1082;
	[sflag:s4] =	ssyncset.s32 $0xFFFFF086  }
0x25: {  	[simem:s6], [sflag:s4] =	dma.local [hbm:s3], $0xF7A  }
0x26: {  	[smem:$0x3FA0] =	sst s1;
	(tag) =	ssettag s2;
	_ =	strace s9  }
0x27: {  	s1 =	sld [smem:$0x3FB0]  }
0x28: {  	s2 =	sld [smem:$0x3FB1]  }
0x29: {  	s4 =	sld [smem:$0x3FB3]  }
0x2a: {  	p0 =	seq.s32 s5, $0x0;
	s5 =	sld [smem:$0x3FB4]  }
0x2b: {  	s6 =	sld [smem:$0x3FB5]  }
0x2c: {  	s7 =	sld [smem:$0x3FB6]  }
0x2d: {  	s3 =	simm.s32 $0x108;
	s8 =	sld [smem:$0x3FB7]  }
0x2e: {  	s3 =	simm.s32 @!p0 $0x1082;
	s9 =	sld [smem:$0x3FB8]  }
0x2f: {  	lr =	sadd.s32 s0, s3;
	s0 =	sld [smem:$0x3FAF]  }
0x30: {  	s3 =	sld [smem:$0x3FB2]  }
0x31: {  	[smem:$0x3FBB] =	sst s10  }
0x32: {  	s10 =	sld [smem:$0x3FB9];
	_ =	sdelay $0x3  }
0x33: {  	p0 =	seq.s32 s10, $0x1;
	s10 =	sld [smem:$0x3FBB];
	_ =	sdelay $0x3  }
0x34: {  	[smem:$0x3FBB] =	sst s10  }
0x35: {  	s10 =	sld [smem:$0x3FBA];
	_ =	sdelay $0x3  }
0x36: {  	p1 =	seq.s32 s10, $0x1;
	s10 =	sld [smem:$0x3FBB];
	_ =	sdelay $0x3  }
0x37: {  	[smem:$0x3FBB] =	sst s10  }
0x38: {  	s10 =	sld [smem:$0x3FBC]  }
0x39: {  	_ = 	snop;
	(pc) =	sbr.ind lr, $3  }
0x3a: {  	_ = 	snop  }
0x3b: {  	_ = 	snop  }
0x3c: {  	p2 =	seq.s32 s10, $0x1;
	s10 =	sld [smem:$0x3FBB]  }
0x3d: {  	_ =	shalt  }
0x3e: {  	_ =	shalt  }
0x3f: {  	_ =	shalt  }
0x40: {  	_ =	shalt  }
0x41: {  	_ =	shalt  }
0x42: {  	_ =	shalt  }
0x43: {  	_ =	shalt  }
0x44: {  	_ =	shalt  }
0x45: {  	_ =	shalt  }
0x46: {  	_ =	shalt  }
0x47: {  	_ =	shalt  }
0x48: {  	_ =	shalt  }
0x49: {  	_ =	shalt  }
0x4a: {  	_ =	shalt  }
0x4b: {  	_ =	shalt  }
0x4c: {  	_ =	shalt  }
0x4d: {  	_ =	shalt  }
0x4e: {  	_ =	shalt  }
0x4f: {  	_ =	shalt  }
0x50: {  	_ =	shalt  }
0x51: {  	_ =	shalt  }
0x52: {  	_ =	shalt  }
0x53: {  	_ =	shalt  }
0x54: {  	_ =	shalt  }
0x55: {  	_ =	shalt  }
0x56: {  	_ =	shalt  }
0x57: {  	_ =	shalt  }
0x58: {  	_ =	shalt  }
0x59: {  	_ =	shalt  }
0x5a: {  	_ =	shalt  }
0x5b: {  	_ =	shalt  }
0x5c: {  	_ =	shalt  }
0x5d: {  	_ =	shalt  }
0x5e: {  	_ =	shalt  }
0x5f: {  	_ =	shalt  }
0x60: {  	_ =	shalt  }
0x61: {  	_ =	shalt  }
0x62: {  	_ =	shalt  }
0x63: {  	_ =	shalt  }
0x64: {  	_ =	shalt  }
0x65: {  	_ =	shalt  }
0x66: {  	_ =	shalt  }
0x67: {  	_ =	shalt  }
0x68: {  	_ =	shalt  }
0x69: {  	_ =	shalt  }
0x6a: {  	_ =	shalt  }
0x6b: {  	_ =	shalt  }
0x6c: {  	_ =	shalt  }
0x6d: {  	_ =	shalt  }
0x6e: {  	_ =	shalt  }
0x6f: {  	_ =	shalt  }
0x70: {  	_ =	shalt  }
0x71: {  	_ =	shalt  }
0x72: {  	_ =	shalt  }
0x73: {  	_ =	shalt  }
0x74: {  	_ =	shalt  }
0x75: {  	_ =	shalt  }
0x76: {  	_ =	shalt  }
0x77: {  	_ =	shalt  }
0x78: {  	_ =	shalt  }
0x79: {  	_ =	shalt  }
0x7a: {  	_ =	shalt  }
0x7b: {  	_ =	shalt  }
0x7c: {  	_ =	shalt  }
0x7d: {  	_ =	shalt  }
0x7e: {  	_ =	shalt  }
0x7f: {  	_ =	shalt  }
0x80: {  	_ =	shalt  }
0x81: {  	_ =	shalt  }
0x82: {  	_ =	shalt  }
0x83: {  	_ =	shalt  }
0x84: {  	_ =	shalt  }
0x85: {  	_ =	shalt  }
0x86: {  	_ =	shalt  }
0x87: {  	_ =	shalt  }
.Lfunc_end0:
.L_simem_size_0:
called_computation_lowered:
.L_overlay_start_0:
0x88: {  	s2 =	sld [smem:$0x3FD9]  }
0x89: {  	s3 =	sld [smem:$0x3FFE];
	_ =	sdelay $0x1  }
0x8a: {  	s1 =	srdreg.scid  }
0x8b: {  	s0 =	sand.u32 $0x1, s1  }
0x8c: {  	s18 =	sshll.u32 s0, $0xA;
	s2 =	sadd.s32 s3, s2  }
0x8d: {  	s2 =	sadd.s32 s2, s18  }
0x8e: {  	[smem:$0x3FC7] =	sst s2  }
0x8f: {  	_ = 	snop  }
0x90: {  	s2 =	sld [smem:$0x3FC9]  }
0x91: {  	s19 =	sld [smem:$0x3FD0];
	(tm) =	ssettm $0x1  }
0x92: {  	s4 =	sld [smem:$0x3FFB];
	_ =	sdelay $0x3  }
0x93: {  	_ =	strace s4  }
0x94: {  	s4 =	sld [smem:$0x3FFC];
	_ =	sdelay $0x3  }
0x95: {  	_ =	strace s4  }
0x96: {  	s4 =	sld [smem:$0x3FFD];
	_ =	sdelay $0x3  }
0x97: {  	_ =	strace s4  }
0x98: {  	_ =	strace $0x8FFFFFFF  }
0x99: {  	s20 =	sld [smem:$0x3FDB];
	_ =	sdelay $0x1  }
0x9a: {  	s5 =	simm.s32 $_scs_section_size  }
0x9b: {  	s6 =	simm.s32 $_size__tile_overlayer_lowered;
	s7 =	simm.s32 $_tile_overlayer_lowered  }
0x9c: {  	s23 =	simm.s32 $0x1BFF;
	s22 =	sshll.u32 s7, $0x1;
	s4 =	sadd.s32 s5, s20  }
0x9d: {  	s8 =	simm.s32 $0x0;
	s21 =	sshll.u32 s6, $0x1;
	s6 =	sadd.s32 s22, s4  }
0x9e: {  	[timem:s8], [sflag:s23] =	dma.local [hbm:s6], s21  }
0x9f: {  	_ =	swait.ge [sflag:s23], s21  }
0xa0: {  	s5 =	ssub.s32 $0x0, s21;
	[sflag:s23] =	ssyncset.done $0x0  }
0xa1: {  	[sflag:s23] =	ssyncadd.s32 s5;
	_ =	sdelay $0x1  }
0xa2: {  	s24 =	simm.s32 $0x1B8B  }
0xa3: {  	_ =	swait.ge [sflag:s24], $0x1  }
0xa4: {  	[sflag:s24] =	ssyncset.done $0x0  }
0xa5: {  	s25 =	simm.s32 $0x1B8E;
	[sflag:s24] =	ssyncadd.s32 $0xFFFFFFFF  }
0xa6: {  	s26 =	simm.s32 $execute0_lowered;
	[smem:$0x3FD2] =	sst s25  }
0xa7: {  	s5 =	sshll.u32 s26, $0x1;
	_ =	strace $0x80000046;
	[dreg:$0x1] =	wrdreg $0xFFFFFFFF  }
0xa8: {  	s28 =	simm.s32 $_size_execute0_lowered;
	s4 =	sadd.s32 s4, s5;
	[dreg:$0x0] =	wrdreg $0x0  }
0xa9: {  	s5 =	sshll.u32 s28, $0x1;
	[dreg:$0x2] =	wrdreg s4  }
0xaa: {  	[dreg:$0x3] =	wrdreg s5  }
0xab: {  	[dreg:$0x4] =	wrdreg $0xC0  }
0xac: {  	_ =	task [dreg:s8], $0x5FFFF  }
0xad: {  	[dreg:$0x1] =	wrdreg $0xFFFFFFFF  }
0xae: {  	[dreg:$0x0] =	wrdreg $0x60  }
0xaf: {  	[dreg:$0x2] =	wrdreg s2  }
0xb0: {  	[dreg:$0x3] =	wrdreg s19  }
0xb1: {  	[dreg:$0x4] =	wrdreg $0x9  }
0xb2: {  	_ =	task.clear_ibuf [dreg:s8], $0x5FFFF;
	_ =	strace $0x90000046  }
0xb3: {  	s29 =	simm.s32 $0x9;
	_ =	strace $0x80000048  }
0xb4: {  	_ =	swait.ge [sflag:s29], $0x1  }
0xb5: {  	[sflag:s29] =	ssyncadd.s32 $0xFFFFFFFF  }
0xb6: {  	_ =	strace $0x90000048  }
0xb7: {  	_ =	sfence  }
0xb8: {  	s30 =	sld [smem:$0x0];
	_ =	sdelay $0x2  }
0xb9: {  	s31 =	sshll.u32 s1, $0xD;
	s1 =	sshrl.u32 s1, $0x2  }
0xba: {  	s3 =	sand.u32 $0x4000, s31;
	s1 =	sadd.s32 s1, s30  }
0xbb: {  	s0 =	sor.u32 s3, s0;
	s1 =	sshll.u32 s1, $0x11  }
0xbc: {  	s0 =	sor.u32 s1, s0  }
0xbd: {  	s0 =	sadd.s32 $0x8F2B, s0  }
0xbe: {  	[sflag:s0] =	ssyncadd.remote.s32 $0x1  }
0xbf: {  	_ =	sfence.sel $0xFFFF  }
0xc0: {  	[dreg:$0x0] =	wrdreg $0xFFFFFFFF;
	(pc) =	sbr.abs _section_cstart, $3  }
0xc1: {  	[dreg:$0x1] =	wrdreg $0xFFFFFFFF  }
0xc2: {  	_ =	task.clear_ibuf [dreg:s8], $0x2FFFF;
	_ =	strace $0x9FFFFFFF  }
0xc3: {  	(tm) =	ssettm $0x7FFFFFFF  }
tec
execute0_lowered:
.L_overlay_start_1:
0x0: {  	(tag) =	ssettag $0x1  }
0x1: {  	s4 =	rddreg [dreg:$0x0]  }
0x2: {  	s2 =	rddreg [dreg:$0x1]  }
0x3: {  	s0 =	rddreg [dreg:$0x2]  }
0x4: {  	s5 =	srdreg.scid;
	s1 =	stileid.u32  }
0x5: {  	s3 =	simm.s32 $0x0;
	s9 =	simm.s32 $0x800;
	s10 =	simm.s32 $0xC00  }
0x6: {  	s11 =	simm.s32 $0x1000;
	s12 =	simm.s32 $0x1400;
	s13 =	simm.s32 $0x1800  }
0x7: {  	s14 =	simm.s32 $0x1C00;
	s15 =	simm.s32 $0x2000;
	s16 =	simm.s32 $0x1  }
0x8: {  	s17 =	simm.s32 $0x0;
	s5 =	sand.u32 $0x1, s5;
	s6 =	sshll.u32 s1, $0x1  }
0x9: {  	v0 =	vlaneseq.u32;
	[smem:$0x7FF] =	sst s3;
	s7 =	ssub.s32 $0x2, s5;
	s5 =	sor.u32 s5, s6  }
0xa: {  	v1 =	vimm.f32 $0.0e+00;
	v2 =	vor.u32 $0x10, v0;
	_ =	strace $0x80000047;
	s31 =	sshrl.u32 s7, $0x1;
	s8 =	sshll.u32 s5, $0xA  }
0xb: {  	v3 =	vor.u32 $0x20, v0;
	v4 =	vor.u32 $0x30, v0;
	v5 =	vor.u32 $0x40, v0;
	s5 =	smul.u32 $0xC3800, s5;
	s6 =	ssub.s32 s7, s31;
	s4 =	sadd.s32 s4, s8  }
0xc: {  	v6 =	vor.u32 $0x50, v0;
	v7 =	vor.u32 $0x60, v0;
	v8 =	vor.u32 $0x70, v0;
	s7 =	simm.s32 $0x2;
	s8 =	simm.s32 $0x400;
	s6 =	smax.u32 s6, $0x1  }
.LBB2_1:
0xd: {  	[tilespmem:s3], [sflag:$0x2] =	stream.linear.gather [hbm4b:s4+s3], $0x400, $0x38;
	[tilespmem:$0x2400] =	vst v63  }
0xe: {  	_ =	swait.ge [sflag:s7], $0x400  }
0xf: {  	[sflag:s7] =	ssyncset.done $0x0  }
0x10: {  	[sflag:s7] =	ssyncadd.s32 $0xFFFFFC00  }
0x11: {  	v9 =	vld [tilespmem:$0x0];
	_ =	sdelay $0x4  }
0x12: {  	(v2sf) =	vpush v9, $0x0  }
0x13: {  	v9 =	vld [tilespmem:$0x80]  }
0x14: {  	v10 =	vld [tilespmem:$0x100];
	_ =	sdelay $0x3  }
0x15: {  	(v2sf) =	vpush v9, $0x0  }
0x16: {  	(v2sf) =	vpush v10, $0x0  }
0x17: {  	v9 =	vld [tilespmem:$0x180];
	_ =	sdelay $0x4  }
0x18: {  	v10 =	vld [tilespmem:$0x200];
	(v2sf) =	vpush v9, $0x0;
	_ =	sdelay $0x1  }
0x19: {  	s18 =	spop (v2sf)  }
0x1a: {  	s18 =	sadd.f32 $1.258291200e+07, s18;
	_ =	sdelay $0x1  }
0x1b: {  	(v2sf) =	vpush v10, $0x0;
	s18 =	sadd.f32 $-1.258291200e+07, s18  }
0x1c: {  	v9 =	vld [tilespmem:$0x280]  }
0x1d: {  	v10 =	vld [tilespmem:$0x300];
	s18 =	smax.f32 s18, $0.0e+00  }
0x1e: {  	s19 =	spop (v2sf);
	s18 =	smin.f32 s18, $9.999900000e+04  }
0x1f: {  	s19 =	sadd.f32 $1.258291200e+07, s19;
	s20 =	spop (v2sf)  }
0x20: {  	s18 =	scvt.f32.s32 s18;
	s20 =	sadd.f32 $1.258291200e+07, s20  }
0x21: {  	(v2sf) =	vpush v9, $0x0;
	s19 =	sadd.f32 $-1.258291200e+07, s19  }
0x22: {  	(v2sf) =	vpush v10, $0x0;
	[smem:$0x0] =	sst s18  }
0x23: {  	v9 =	vld [tilespmem:$0x380];
	s18 =	sand.u32 $0xFFFFFF80, s18;
	s21 =	sadd.f32 $-1.258291200e+07, s20  }
0x24: {  	[smem:$0x80] =	sst s18  }
0x25: {  	s19 =	smax.f32 s19, $0.0e+00;
	s22 =	spop (v2sf)  }
0x26: {  	s18 =	smin.f32 s19, $9.999900000e+04;
	s20 =	sadd.f32 $1.258291200e+07, s22  }
0x27: {  	s19 =	smax.f32 s21, $0.0e+00;
	s18 =	scvt.f32.s32 s18  }
0x28: {  	(v2sf) =	vpush v9, $0x0;
	s19 =	smin.f32 s19, $9.999900000e+04;
	s20 =	sadd.f32 $-1.258291200e+07, s20  }
0x29: {  	s19 =	scvt.f32.s32 s19;
	[smem:$0x1] =	sst s18;
	s18 =	sand.u32 $0xFFFFFF80, s18  }
0x2a: {  	s21 =	spop (v2sf);
	[smem:$0x81] =	sst s18  }
0x2b: {  	s23 =	smax.f32 s20, $0.0e+00;
	[smem:$0x2] =	sst s19  }
0x2c: {  	s19 =	sand.u32 $0xFFFFFF80, s19;
	s18 =	smin.f32 s23, $9.999900000e+04;
	s24 =	sadd.f32 $1.258291200e+07, s21  }
0x2d: {  	[smem:$0x82] =	sst s19;
	s18 =	scvt.f32.s32 s18  }
0x2e: {  	s20 =	sadd.f32 $-1.258291200e+07, s24  }
0x2f: {  	[smem:$0x3] =	sst s18  }
0x30: {  	s18 =	sand.u32 $0xFFFFFF80, s18;
	s25 =	spop (v2sf);
	s20 =	smax.f32 s20, $0.0e+00  }
0x31: {  	[smem:$0x83] =	sst s18;
	s26 =	spop (v2sf)  }
0x32: {  	s19 =	sadd.f32 $1.258291200e+07, s25;
	s28 =	smin.f32 s20, $9.999900000e+04  }
0x33: {  	s18 =	scvt.f32.s32 s28;
	s29 =	sadd.f32 $1.258291200e+07, s26  }
0x34: {  	s19 =	sadd.f32 $-1.258291200e+07, s19  }
0x35: {  	[smem:$0x4] =	sst s18  }
0x36: {  	s20 =	sadd.f32 $-1.258291200e+07, s29  }
0x37: {  	s19 =	smax.f32 s19, $0.0e+00;
	s30 =	spop (v2sf)  }
0x38: {  	s19 =	smin.f32 s19, $9.999900000e+04;
	s21 =	sadd.f32 $1.258291200e+07, s30  }
0x39: {  	s20 =	smax.f32 s20, $0.0e+00;
	s31 =	scvt.f32.s32 s19  }
0x3a: {  	s18 =	sand.u32 $0xFFFFFF80, s18;
	s19 =	smin.f32 s20, $9.999900000e+04;
	s22 =	sadd.f32 $-1.258291200e+07, s21  }
0x3b: {  	[smem:$0x84] =	sst s18;
	s19 =	scvt.f32.s32 s19  }
0x3c: {  	[smem:$0x5] =	sst s31;
	s18 =	sand.u32 $0xFFFFFF80, s31;
	s20 =	smax.f32 s22, $0.0e+00  }
0x3d: {  	[smem:$0x85] =	sst s18;
	s23 =	smin.f32 s20, $9.999900000e+04  }
0x3e: {  	[smem:$0x6] =	sst s19;
	s19 =	sand.u32 $0xFFFFFF80, s19;
	s18 =	scvt.f32.s32 s23  }
0x3f: {  	[smem:$0x86] =	sst s19  }
0x40: {  	[smem:$0x7] =	sst s18;
	s24 =	sand.u32 $0xFFFFFF80, s18  }
0x41: {  	[smem:$0x87] =	sst s24  }
0x42: {  	s26 =	sld [smem:$0x80]  }
0x43: {  	s25 =	sand.u32 $0x7, s3  }
0x44: {  	s22 =	sld [smem:s25+$0x0]  }
0x45: {  	v9 =	vadd.s32 s26, v0;
	v10 =	vadd.s32 s26, v2;
	v11 =	vadd.s32 s26, v8  }
0x46: {  	s28 =	simm.s32 $0x0;
	v12 =	vadd.s32 s26, v3;
	v13 =	vadd.s32 s26, v4;
	v14 =	vadd.s32 s26, v6  }
0x47: {  	s20 =	sand.u32 $0x3FFFFC00, s28;
	s19 =	sshll.u32 s25, $0x7;
	vm0 =	veq.s32 v11, s22;
	v11 =	vadd.s32 s26, v5;
	vm1 =	veq.s32 v10, s22  }
0x48: {  	s20 =	sor.u32 s19, s20;
	vm2 =	veq.s32 v12, s22;
	vm3 =	veq.s32 v13, s22;
	v15 =	vsel vm0, $0x40A00000, v1  }
0x49: {  	s29 =	simm.s32 $0x1;
	vm0 =	veq.s32 v9, s22;
	v9 =	vadd.s32 s26, v7;
	vm4 =	veq.s32 v11, s22;
	[tilespmem:s20+$0x470] =	vst v15  }
0x4a: {  	s30 =	sand.u32 $0x7, s29;
	v11 =	vsel vm3, $0x40A00000, v1;
	v10 =	vsel vm0, $0x40A00000, v1;
	vm0 =	veq.s32 v14, s22;
	s23 =	sld [smem:$0x80]  }
0x4b: {  	vm5 =	veq.s32 v9, s22;
	v9 =	vsel vm1, $0x40A00000, v1;
	v59 =	vsel vm4, $0x40A00000, v1;
	[tilespmem:s20+$0x400] =	vst v10;
	s19 =	sld [smem:s30+$0x0]  }
0x4c: {  	v10 =	vsel vm2, $0x40A00000, v1;
	[tilespmem:s20+$0x410] =	vst v9;
	v60 =	vsel vm0, $0x40A00000, v1;
	v9 =	vsel vm5, $0x40A00000, v1  }
0x4d: {  	s31 =	simm.s32 $0x80;
	[tilespmem:s20+$0x430] =	vst v11;
	v61 =	vadd.s32 s23, v0;
	v62 =	vadd.s32 s23, v2;
	v16 =	vadd.s32 s23, v8  }
0x4e: {  	s21 =	sshll.u32 s30, $0x7;
	s22 =	sand.u32 $0x3FFFFC00, s31;
	[tilespmem:s20+$0x440] =	vst v59;
	v17 =	vadd.s32 s23, v3;
	v18 =	vadd.s32 s23, v4;
	vm0 =	veq.s32 v16, s19  }
0x4f: {  	s21 =	sor.u32 s21, s22;
	[tilespmem:s20+$0x420] =	vst v10;
	v63 =	vadd.s32 s23, v5;
	v10 =	vadd.s32 s23, v6;
	v19 =	vsel vm0, $0x40A00000, v1  }
0x50: {  	v11 =	vadd.s32 s23, v7;
	vm2 =	veq.s32 v61, s19;
	vm4 =	veq.s32 v17, s19;
	[tilespmem:s21+$0x470] =	vst v19  }
0x51: {  	s24 =	simm.s32 $0x0;
	s22 =	simm.s32 $0x2;
	s23 =	simm.s32 $0x3;
	vm3 =	veq.s32 v18, s19;
	vm1 =	veq.s32 v63, s19;
	vm0 =	veq.s32 v62, s19;
	[tilespmem:s20+$0x450] =	vst v60  }
.LBB2_2:
0x52: {  	p0 =	sne.s32 s23, $0x3F;
	s25 =	sand.u32 $0x7, s22;
	s24 =	sld [smem:s24+$0x80];
	v12 =	vsel vm2, $0x40A00000, v1;
	vm2 =	veq.s32 v10, s19;
	vm5 =	veq.s32 v11, s19;
	[tilespmem:s20+$0x460] =	vst v9  }
0x53: {  	v9 =	vsel vm0, $0x40A00000, v1;
	v10 =	vsel vm4, $0x40A00000, v1;
	v11 =	vsel vm3, $0x40A00000, v1;
	s20 =	smov.u32 s21;
	s19 =	sld [smem:s25+$0x0];
	[tilespmem:s21+$0x400] =	vst v12  }
0x54: {  	v12 =	vsel vm1, $0x40A00000, v1;
	v13 =	vsel vm2, $0x40A00000, v1;
	[tilespmem:s20+$0x410] =	vst v9;
	v9 =	vsel vm5, $0x40A00000, v1  }
.Ltmp0:
0x55: {  	s21 =	sshll.u32 s22, $0x7;
	s22 =	smov.u32 s23;
	v14 =	vadd.s32 s24, v0;
	v15 =	vadd.s32 s24, v2;
	v16 =	vadd.s32 s24, v8;
	[tilespmem:s20+$0x420] =	vst v10;
	(pc) =	sbr.rel @p0 .LBB2_2-.Ltmp0, $4  }
0x56: {  	s25 =	sshll.u32 s25, $0x7;
	s21 =	sand.u32 $0x3FFFFC00, s21;
	v17 =	vadd.s32 s24, v3;
	v18 =	vadd.s32 s24, v4;
	vm0 =	veq.s32 v16, s19;
	[tilespmem:s20+$0x430] =	vst v11  }
0x57: {  	s21 =	sor.u32 s25, s21;
	v10 =	vadd.s32 s24, v6;
	v16 =	vadd.s32 s24, v5;
	v19 =	vsel vm0, $0x40A00000, v1;
	[tilespmem:s20+$0x440] =	vst v12  }
0x58: {  	vm2 =	veq.s32 v14, s19;
	v11 =	vadd.s32 s24, v7;
	vm0 =	veq.s32 v15, s19;
	[tilespmem:s21+$0x470] =	vst v19  }
0x59: {  	s23 =	sadd.s32 $0x1, s23;
	s24 =	sshrl.u32 s22, $0x3;
	vm4 =	veq.s32 v17, s19;
	vm3 =	veq.s32 v18, s19;
	vm1 =	veq.s32 v16, s19;
	[tilespmem:s20+$0x450] =	vst v13  }
0x5a: {  	s23 =	sand.u32 $0x7, s22;
	s24 =	sld [smem:s24+$0x80];
	v12 =	vsel vm2, $0x40A00000, v1;
	[tilespmem:s20+$0x460] =	vst v9  }
0x5b: {  	v9 =	vsel vm0, $0x40A00000, v1;
	s28 =	sld [smem:s23+$0x0];
	[tilespmem:s21+$0x400] =	vst v12  }
0x5c: {  	v61 =	vsel vm4, $0x40A00000, v1;
	[tilespmem:s21+$0x410] =	vst v9  }
0x5d: {  	s29 =	sshll.u32 s22, $0x7;
	v62 =	vsel vm1, $0x40A00000, v1;
	vm8 =	veq.s32 v11, s19;
	[tilespmem:s21+$0x420] =	vst v61;
	v13 =	vadd.s32 s24, v8  }
0x5e: {  	v9 =	vsel vm3, $0x40A00000, v1;
	s22 =	sand.u32 $0x3FFFFC00, s29;
	s23 =	sshll.u32 s23, $0x7;
	[tilespmem:s21+$0x440] =	vst v62;
	v11 =	vadd.s32 s24, v0;
	vm6 =	veq.s32 v13, s28  }
0x5f: {  	[tilespmem:s21+$0x430] =	vst v9;
	s22 =	sor.u32 s23, s22;
	vm9 =	veq.s32 v11, s28;
	v9 =	vsel vm6, $0x40A00000, v1  }
0x60: {  	vm7 =	veq.s32 v10, s19;
	v11 =	vsel vm9, $0x40A00000, v1;
	[tilespmem:s22+$0x470] =	vst v9  }
0x61: {  	v10 =	vsel vm7, $0x40A00000, v1;
	v63 =	vadd.s32 s24, v2;
	[tilespmem:s22+$0x400] =	vst v11  }
0x62: {  	s30 =	sld [smem:$0x80];
	vm10 =	veq.s32 v63, s28;
	v9 =	vsel vm8, $0x40A00000, v1;
	[tilespmem:s21+$0x450] =	vst v10;
	v10 =	vadd.s32 s24, v3  }
0x63: {  	[tilespmem:s21+$0x460] =	vst v9;
	v9 =	vadd.s32 s24, v4;
	vm11 =	veq.s32 v10, s28;
	v10 =	vsel vm10, $0x40A00000, v1  }
0x64: {  	v11 =	vadd.s32 s24, v5;
	vm12 =	veq.s32 v9, s28;
	v9 =	vsel vm11, $0x40A00000, v1;
	[tilespmem:s22+$0x410] =	vst v10  }
0x65: {  	s19 =	sshll.u32 s30, $0x3;
	vm13 =	veq.s32 v11, s28;
	v10 =	vadd.s32 s24, v6;
	v11 =	vsel vm12, $0x40A00000, v1;
	[tilespmem:s22+$0x420] =	vst v9  }
0x66: {  	s31 =	sld [smem:$0x81];
	s19 =	sand.u32 $0x7FFFFC00, s19;
	v9 =	vadd.s32 s24, v7;
	vm14 =	veq.s32 v10, s28;
	v10 =	vsel vm13, $0x40A00000, v1;
	[tilespmem:s22+$0x430] =	vst v11  }
0x67: {  	s19 =	sadd.s32 s5, s19;
	vm15 =	veq.s32 v9, s28;
	v9 =	vsel vm14, $0x40A00000, v1;
	[tilespmem:s22+$0x440] =	vst v10  }
0x68: {  	s19 =	sshrl.u32 s19, $0x3;
	v10 =	vsel vm15, $0x40A00000, v1;
	[tilespmem:s22+$0x450] =	vst v9  }
0x69: {  	s20 =	sshll.u32 s31, $0x3;
	s19 =	sadd.s32 s2, s19;
	[tilespmem:s22+$0x460] =	vst v10  }
0x6a: {  	[hbm4b:s19+s3] =	stream.linear.scatter [tilespmem:s8], [sflag:$0x1], $0x400, $0x38;
	[tilespmem:$0x2400] =	vst v63  }
0x6b: {  	s21 =	sld [smem:$0x82];
	s19 =	sand.u32 $0x7FFFFC00, s20  }
0x6c: {  	s19 =	sadd.s32 s5, s19  }
0x6d: {  	s19 =	sshrl.u32 s19, $0x3  }
0x6e: {  	s22 =	sshll.u32 s21, $0x3;
	s19 =	sadd.s32 s2, s19  }
0x6f: {  	[hbm4b:s19+s3] =	stream.linear.scatter [tilespmem:s9], [sflag:$0x1], $0x400, $0x38;
	[tilespmem:$0x2400] =	vst v63  }
0x70: {  	s23 =	sld [smem:$0x83];
	s19 =	sand.u32 $0x7FFFFC00, s22  }
0x71: {  	s19 =	sadd.s32 s5, s19  }
0x72: {  	s19 =	sshrl.u32 s19, $0x3  }
0x73: {  	s24 =	sshll.u32 s23, $0x3;
	s19 =	sadd.s32 s2, s19  }
0x74: {  	[hbm4b:s19+s3] =	stream.linear.scatter [tilespmem:s10], [sflag:$0x1], $0x400, $0x38;
	[tilespmem:$0x2400] =	vst v63  }
0x75: {  	s25 =	sld [smem:$0x84];
	s19 =	sand.u32 $0x7FFFFC00, s24  }
0x76: {  	s19 =	sadd.s32 s5, s19  }
0x77: {  	s19 =	sshrl.u32 s19, $0x3  }
0x78: {  	s26 =	sshll.u32 s25, $0x3;
	s19 =	sadd.s32 s2, s19  }
0x79: {  	[hbm4b:s19+s3] =	stream.linear.scatter [tilespmem:s11], [sflag:$0x1], $0x400, $0x38;
	[tilespmem:$0x2400] =	vst v63  }
0x7a: {  	s28 =	sld [smem:$0x85];
	s19 =	sand.u32 $0x7FFFFC00, s26  }
0x7b: {  	s19 =	sadd.s32 s5, s19  }
0x7c: {  	s19 =	sshrl.u32 s19, $0x3  }
0x7d: {  	s29 =	sshll.u32 s28, $0x3;
	s19 =	sadd.s32 s2, s19  }
0x7e: {  	[hbm4b:s19+s3] =	stream.linear.scatter [tilespmem:s12], [sflag:$0x1], $0x400, $0x38;
	[tilespmem:$0x2400] =	vst v63  }
0x7f: {  	s30 =	sld [smem:$0x86];
	s19 =	sand.u32 $0x7FFFFC00, s29  }
0x80: {  	s19 =	sadd.s32 s5, s19  }
0x81: {  	s19 =	sshrl.u32 s19, $0x3  }
0x82: {  	s31 =	sshll.u32 s30, $0x3;
	s19 =	sadd.s32 s2, s19  }
0x83: {  	[hbm4b:s19+s3] =	stream.linear.scatter [tilespmem:s13], [sflag:$0x1], $0x400, $0x38;
	[tilespmem:$0x2400] =	vst v63  }
0x84: {  	s18 =	sshll.u32 s18, $0x3;
	s19 =	sand.u32 $0x7FFFFC00, s31  }
0x85: {  	s18 =	sand.u32 $0x7FFFFC00, s18;
	s19 =	sadd.s32 s5, s19  }
0x86: {  	s18 =	sadd.s32 s5, s18;
	s19 =	sshrl.u32 s19, $0x3  }
0x87: {  	s18 =	sshrl.u32 s18, $0x3;
	s19 =	sadd.s32 s2, s19  }
0x88: {  	[hbm4b:s19+s3] =	stream.linear.scatter [tilespmem:s14], [sflag:$0x1], $0x400, $0x38;
	[tilespmem:$0x2400] =	vst v63  }
0x89: {  	s18 =	sadd.s32 s2, s18  }
0x8a: {  	[hbm4b:s18+s3] =	stream.linear.scatter [tilespmem:s15], [sflag:$0x1], $0x400, $0x38;
	[tilespmem:$0x2400] =	vst v63  }
0x8b: {  	_ =	swait.ge [sflag:s16], $0x400  }
0x8c: {  	[sflag:s16] =	ssyncset.done $0x0  }
0x8d: {  	[sflag:s16] =	ssyncadd.s32 $0xFFFFFC00  }
0x8e: {  	_ =	swait.ge [sflag:s16], $0x400  }
0x8f: {  	[sflag:s16] =	ssyncset.done $0x0  }
0x90: {  	[sflag:s16] =	ssyncadd.s32 $0xFFFFFC00  }
0x91: {  	_ =	swait.ge [sflag:s16], $0x400  }
0x92: {  	[sflag:s16] =	ssyncset.done $0x0  }
0x93: {  	[sflag:s16] =	ssyncadd.s32 $0xFFFFFC00  }
0x94: {  	_ =	swait.ge [sflag:s16], $0x400  }
0x95: {  	[sflag:s16] =	ssyncset.done $0x0  }
0x96: {  	[sflag:s16] =	ssyncadd.s32 $0xFFFFFC00  }
0x97: {  	_ =	swait.ge [sflag:s16], $0x400  }
0x98: {  	[sflag:s16] =	ssyncset.done $0x0  }
0x99: {  	[sflag:s16] =	ssyncadd.s32 $0xFFFFFC00  }
0x9a: {  	_ =	swait.ge [sflag:s16], $0x400  }
0x9b: {  	[sflag:s16] =	ssyncset.done $0x0  }
0x9c: {  	s17 =	sadd.s32 $0x1, s17;
	[sflag:s16] =	ssyncadd.s32 $0xFFFFFC00  }
0x9d: {  	p0 =	sne.s32 s17, s6;
	_ =	swait.ge [sflag:s16], $0x400  }
.Ltmp1:
0x9e: {  	[sflag:s16] =	ssyncset.done $0x0;
	(pc) =	sbr.rel @p0 .LBB2_1-.Ltmp1, $4  }
0x9f: {  	[sflag:s16] =	ssyncadd.s32 $0xFFFFFC00  }
0xa0: {  	_ =	swait.ge [sflag:s16], $0x400  }
0xa1: {  	[sflag:s16] =	ssyncset.done $0x0  }
0xa2: {  	[sflag:s16] =	ssyncadd.s32 $0xFFFFFC00  }
0xa3: {  	_ =	sfence.sel $0x180000  }
0xa4: {  	[bflag:$0x0] =	sbarrier.arrive $0xFFFF  }
0xa5: {  	p0 =	sne.s32 s1, $0x0;
	_ =	strace $0x90000047  }
0xa6: {  	s0 =	sadd.s32 @!p0 $0x100000, s0;
	[bflag:$0x2] =	sbarrier.arrive $0xFFFF  }
0xa7: {  	[sflag:s0] =	ssyncadd.tile.s32 @!p0 $0x1;
	_ =	shalt  }
.Lfunc_end2:
_tile_overlayer_lowered:
.L_overlay_start_2:
0xa8: {  	(tag) =	ssettag $0x2  }
0xa9: {  	s0 =	rddreg [dreg:$0x0];
	s2 =	stileid.u32  }
0xaa: {  	s1 =	rddreg [dreg:$0x1];
	p0 =	sne.s32 s2, $0x0  }
0xab: {  	s3 =	rddreg [dreg:$0x2];
	[bflag:$0x3] =	sbarrier.arrive $0xFFFF;
	s2 =	simm.s32 @!p0 $0x1C02  }
0xac: {  	[timem:s3], [sflag:s2] =	dma.local @!p0 [hbm:s0], s1  }
0xad: {  	s0 =	simm.s32 @!p0 $0x2  }
0xae: {  	_ =	swait.ge @!p0 [sflag:s0], s1  }
0xaf: {  	s1 =	ssub.s32 @!p0 $0x0, s1;
	[sflag:s0] =	ssyncset.done @!p0 $0x0  }
0xb0: {  	[sflag:s0] =	ssyncadd.s32 @!p0 s1  }
0xb1: {  	[bflag:$0x3] =	sbarrier.arrive $0xFFFF  }
0xb2: {  	_ =	shalt  }

</sc_bundles>
